<compile_context>
chip_gen: v7x
topology: tpu7x:2x2x1
jax: 0.10.2.dev20260603
libtpu: 0.0.44.dev20260713+nightly
codegen_flags: <defaults>
</compile_context>

<pallas_src>
import functools

import jax
import jax.numpy as jnp
from jax import lax
from jax.experimental import pallas as pl
from jax.experimental.pallas import tpu as pltpu
from jax.experimental.pallas import tpu_sc as plsc

N = 10000
D = 128
C = 40

NC = 2
NS = 16
BLK = 128
TBL = 10240
RPT = TBL // NS

_EPS = 1e-12


def _rownorm_kernel(x_ref, o_ref):
    v = x_ref[...]
    n = jnp.sqrt(jnp.sum(v * v, axis=1, keepdims=True))
    o_ref[...] = v / jnp.maximum(n, _EPS)


def _rownorm(x):
    rb = lambda i: (i, 0)
    return pl.pallas_call(
        _rownorm_kernel,
        grid=(N // 2000,),
        in_specs=[pl.BlockSpec((2000, D), rb)],
        out_specs=pl.BlockSpec((2000, D), rb),
        out_shape=jax.ShapeDtypeStruct((TBL, D), x.dtype),
    )(x)


def _segsum_partials(xnp, src2d, dst2d, zeros):
    eb = src2d.shape[0]
    bpt = eb // (NC * NS)
    mesh = plsc.VectorSubcoreMesh(core_axis_name="c", subcore_axis_name="s")

    @functools.partial(
        pl.kernel,
        out_type=(
            jax.ShapeDtypeStruct((TBL, D), jnp.float32),
            jax.ShapeDtypeStruct((TBL, D), jnp.float32),
            jax.ShapeDtypeStruct((eb * BLK, D), jnp.float32),
        ),
        mesh=mesh,
        scratch_types=[
            pltpu.VMEM((bpt, BLK), jnp.int32),
            pltpu.VMEM((BLK, D), jnp.float32),
            pltpu.VMEM((BLK, D), jnp.float32),
            pltpu.VMEM_SHARED((TBL, D), jnp.float32),
            pltpu.SemaphoreType.DMA,
            pltpu.SemaphoreType.DMA,
        ],
    )
    def k(xn_hbm, src_hbm, dst_hbm, z_hbm, out0_hbm, out1_hbm, msgs_hbm,
          idx_c, g0, g1, table, sem0, sem1):
        c = lax.axis_index("c")
        s = lax.axis_index("s")
        wid = s * NC + c
        base = wid * bpt

        pltpu.sync_copy(xn_hbm.at[pl.ds(s * RPT, RPT)],
                        table.at[pl.ds(s * RPT, RPT)])
        pltpu.sync_copy(src_hbm.at[pl.ds(base, bpt)], idx_c)
        plsc.subcore_barrier()
        pltpu.sync_copy(table.at[idx_c.at[0]], g0)

        @pl.loop(0, bpt // 2)
        def _(i):
            j = i * 2
            pltpu.async_copy(
                g0, msgs_hbm.at[pl.ds((base + j) * BLK, BLK)], sem0)
            pltpu.sync_copy(table.at[idx_c.at[j + 1]], g1)
            pltpu.make_async_copy(
                g0, msgs_hbm.at[pl.ds((base + j) * BLK, BLK)], sem0).wait()
            pltpu.async_copy(
                g1, msgs_hbm.at[pl.ds((base + j + 1) * BLK, BLK)], sem1)

            @pl.when(j + 2 < bpt)
            def _():
                pltpu.sync_copy(table.at[idx_c.at[j + 2]], g0)

            pltpu.make_async_copy(
                g1, msgs_hbm.at[pl.ds((base + j + 1) * BLK, BLK)],
                sem1).wait()

        plsc.subcore_barrier()

        pltpu.sync_copy(z_hbm, table.at[pl.ds(s * RPT, RPT)])
        pltpu.sync_copy(dst_hbm.at[pl.ds(base, bpt)], idx_c)
        plsc.subcore_barrier()
        pltpu.async_copy(msgs_hbm.at[pl.ds(base * BLK, BLK)], g0, sem0)

        @pl.loop(0, bpt // 2)
        def _(i):
            j = i * 2
            pltpu.make_async_copy(
                msgs_hbm.at[pl.ds((base + j) * BLK, BLK)], g0, sem0).wait()
            pltpu.async_copy(
                msgs_hbm.at[pl.ds((base + j + 1) * BLK, BLK)], g1, sem1)
            pltpu.sync_copy(g0, table.at[idx_c.at[j]], add=True)
            pltpu.make_async_copy(
                msgs_hbm.at[pl.ds((base + j + 1) * BLK, BLK)], g1,
                sem1).wait()

            @pl.when(j + 2 < bpt)
            def _():
                pltpu.async_copy(
                    msgs_hbm.at[pl.ds((base + j + 2) * BLK, BLK)], g0, sem0)

            pltpu.sync_copy(g1, table.at[idx_c.at[j + 1]], add=True)

        plsc.subcore_barrier()

        @pl.when(c == 0)
        def _():
            pltpu.sync_copy(table.at[pl.ds(s * RPT, RPT)],
                            out0_hbm.at[pl.ds(s * RPT, RPT)])

        @pl.when(c == 1)
        def _():
            pltpu.sync_copy(table.at[pl.ds(s * RPT, RPT)],
                            out1_hbm.at[pl.ds(s * RPT, RPT)])

    p0, p1, _ = k(xnp, src2d, dst2d, zeros)
    return p0, p1


def _dotT(a, w):
    return lax.dot_general(
        a, w, dimension_numbers=(((1,), (1,)), ((), ())),
        preferred_element_type=jnp.float32,
        precision=lax.Precision.HIGHEST)


def _layer_mid_kernel(xn_ref, p0_ref, p1_ref, x_ref, wl_ref, bl_ref, wr_ref,
                      sc_ref, h_ref, hn_ref):
    xn = xn_ref[...]
    x = x_ref[...]
    agg = xn + p0_ref[...] + p1_ref[...]
    nagg = jnp.sqrt(jnp.sum(agg * agg, axis=1, keepdims=True))
    aggn = agg / jnp.maximum(nagg, _EPS)
    xnorm = jnp.sqrt(jnp.sum(x * x, axis=1, keepdims=True))
    m = aggn * xnorm * sc_ref[0, 0]
    o = _dotT(m, wl_ref[...]) + bl_ref[...] + _dotT(x, wr_ref[...])
    no = jnp.sqrt(jnp.sum(o * o, axis=1, keepdims=True))
    h = jnp.maximum(o / jnp.maximum(no, _EPS), 0.0)
    h_ref[...] = h
    nh = jnp.sqrt(jnp.sum(h * h, axis=1, keepdims=True))
    hn_ref[...] = h / jnp.maximum(nh, _EPS)


def _layer_mid(xn, p0, p1, x, wl, bl, wr, sc):
    grid = (N // 2000,)
    rb = lambda i: (i, 0)
    wb = lambda i: (0, 0)
    return pl.pallas_call(
        _layer_mid_kernel,
        grid=grid,
        in_specs=[
            pl.BlockSpec((2000, D), rb),
            pl.BlockSpec((2000, D), rb),
            pl.BlockSpec((2000, D), rb),
            pl.BlockSpec((2000, D), rb),
            pl.BlockSpec((D, D), wb),
            pl.BlockSpec((1, D), wb),
            pl.BlockSpec((D, D), wb),
            pl.BlockSpec((1, 1), wb),
        ],
        out_specs=[
            pl.BlockSpec((2000, D), rb),
            pl.BlockSpec((2000, D), rb),
        ],
        out_shape=[
            jax.ShapeDtypeStruct((N, D), jnp.float32),
            jax.ShapeDtypeStruct((TBL, D), jnp.float32),
        ],
    )(xn, p0, p1, x, wl, bl, wr, sc)


def _layer_final_kernel(hn_ref, p0_ref, p1_ref, h_ref, wl_ref, bl_ref, wr_ref,
                        sc_ref, o_ref):
    hn = hn_ref[...]
    h = h_ref[...]
    agg = hn + p0_ref[...] + p1_ref[...]
    nagg = jnp.sqrt(jnp.sum(agg * agg, axis=1, keepdims=True))
    aggn = agg / jnp.maximum(nagg, _EPS)
    hnorm = jnp.sqrt(jnp.sum(h * h, axis=1, keepdims=True))
    m = aggn * hnorm * sc_ref[0, 0]
    o = _dotT(m, wl_ref[...]) + bl_ref[...] + _dotT(h, wr_ref[...])
    no = jnp.sqrt(jnp.sum(o * o, axis=1, keepdims=True))
    o_ref[...] = o / jnp.maximum(no, _EPS)


def _layer_final(hn, p0, p1, h, wl, bl, wr, sc):
    grid = (N // 2000,)
    rb = lambda i: (i, 0)
    wb = lambda i: (0, 0)
    return pl.pallas_call(
        _layer_final_kernel,
        grid=grid,
        in_specs=[
            pl.BlockSpec((2000, D), rb),
            pl.BlockSpec((2000, D), rb),
            pl.BlockSpec((2000, D), rb),
            pl.BlockSpec((2000, D), rb),
            pl.BlockSpec((C, D), wb),
            pl.BlockSpec((1, C), wb),
            pl.BlockSpec((C, D), wb),
            pl.BlockSpec((1, 1), wb),
        ],
        out_specs=pl.BlockSpec((2000, C), rb),
        out_shape=jax.ShapeDtypeStruct((N, C), jnp.float32),
    )(hn, p0, p1, h, wl, bl, wr, sc)


def kernel(x, edge_index, Wl0, bl0, Wr0, scale0, Wl1, bl1, Wr1, scale1):
    src = edge_index[0]
    dst = edge_index[1]
    e = src.shape[0]
    chunk = NC * NS * BLK * 8
    epad = ((e + chunk - 1) // chunk) * chunk
    pad = epad - e
    src_p = jnp.concatenate([src, jnp.zeros((pad,), jnp.int32)])
    dst_p = jnp.concatenate([dst, jnp.full((pad,), N, jnp.int32)])
    src2d = src_p.reshape(-1, BLK)
    dst2d = dst_p.reshape(-1, BLK)
    zeros = jnp.zeros((RPT, D), jnp.float32)
    bl0r = bl0.reshape(1, D)
    bl1r = bl1.reshape(1, C)
    s0r = scale0.reshape(1, 1)
    s1r = scale1.reshape(1, 1)

    xn = _rownorm(x)
    p0, p1 = _segsum_partials(xn, src2d, dst2d, zeros)
    h, hn = _layer_mid(xn, p0, p1, x, Wl0, bl0r, Wr0, s0r)
    q0, q1 = _segsum_partials(hn, src2d, dst2d, zeros)
    out = _layer_final(hn, q0, q1, h, Wl1, bl1r, Wr1, s1r)
    return out

# --- scband reference (transcript-rebuilt; emitter-appended) ---
"""Pipeline reference for scband-private-node-classifier-5927054868543 (READ-ONLY COPY).

The authoritative reference and input builder live on the scoring server;
editing this copy changes nothing except your own understanding.
"""

import jax, jax.numpy as jnp
import numpy as np

N = 10000
E = 320000
D = 128
H = 128
C = 40


def l2norm(v):
    n = jnp.linalg.norm(v, axis=-1, keepdims=True)
    return v / jnp.maximum(n, 1e-12)


def setup_inputs(seed: int = 0) -> dict:
    key = jax.random.key(seed)
    ks = jax.random.split(key, 12)
    x = jax.random.normal(ks[0], (N, D), dtype=jnp.float32)
    edge_index = jax.random.randint(ks[1], (2, E), 0, N, dtype=jnp.int32)
    # layer 0: PrivSAGEConv(in=D, out=H)
    Wl0 = jax.random.normal(ks[2], (H, D), dtype=jnp.float32) * (1.0 / np.sqrt(D))
    bl0 = jnp.zeros((H,), dtype=jnp.float32)
    Wr0 = jax.random.normal(ks[3], (H, D), dtype=jnp.float32) * (1.0 / np.sqrt(D))
    scale0 = jnp.ones((), dtype=jnp.float32)
    # layer 1: PrivSAGEConv(in=H, out=C)
    Wl1 = jax.random.normal(ks[4], (C, H), dtype=jnp.float32) * (1.0 / np.sqrt(H))
    bl1 = jnp.zeros((C,), dtype=jnp.float32)
    Wr1 = jax.random.normal(ks[5], (C, H), dtype=jnp.float32) * (1.0 / np.sqrt(H))
    scale1 = jnp.ones((), dtype=jnp.float32)
    return {"x": x, "edge_index": edge_index, "Wl0": Wl0, "bl0": bl0, "Wr0": Wr0,
            "scale0": scale0, "Wl1": Wl1, "bl1": bl1, "Wr1": Wr1, "scale1": scale1}


def _priv_sage_conv(x, src, dst, Wl, bl, Wr, scale):
    # mechanism.normalize (gaussian, noise_scale=0 -> perturb is identity)
    xn = l2norm(x)
    # propagate with aggr='add': scatter-add x[src] into dst, then agg = xn + propagate
    msgs = jnp.take(xn, src, axis=0)
    agg = xn + jax.ops.segment_sum(msgs, dst, num_segments=N)
    # MessageNorm(learn_scale=True): l2norm(msg) * ||x|| * scale
    xnorm = jnp.linalg.norm(x, axis=-1, keepdims=True)
    out = l2norm(agg) * xnorm * scale
    # lin_l(out) + lin_r(x), then row L2 normalize
    out = out @ Wl.T + bl + x @ Wr.T
    return l2norm(out)


def reference(x, edge_index, Wl0, bl0, Wr0, scale0, Wl1, bl1, Wr1, scale1):
    src = edge_index[0]
    dst = edge_index[1]
    # layer 0 (hidden), followed by dropout(p=0) + ReLU (stage_type 'stack')
    h = _priv_sage_conv(x, src, dst, Wl0, bl0, Wr0, scale0)
    h = jax.nn.relu(h)
    # layer 1 (prediction layer: no bn/dropout/activation after)
    out = _priv_sage_conv(h, src, dst, Wl1, bl1, Wr1, scale1)
    return out

if __name__ == "__main__":
    import jax
    _d = setup_inputs()
    print(jax.jit(kernel)(*tuple(_d.values())))

</pallas_src>

<mosaic_0001>
#map = affine_map<(d0, d1) -> (0, 0)>
module attributes {stable_mosaic.version = 14 : i64} {
  func.func @k(%arg0: i32, %arg1: i32, %arg2: memref<10240x128xf32, #tpu.memory_space<hbm>>, %arg3: memref<2560x128xi32, #tpu.memory_space<hbm>>, %arg4: memref<2560x128xi32, #tpu.memory_space<hbm>>, %arg5: memref<640x128xf32, #tpu.memory_space<hbm>>, %arg6: memref<10240x128xf32, #tpu.memory_space<hbm>>, %arg7: memref<10240x128xf32, #tpu.memory_space<hbm>>, %arg8: memref<327680x128xf32, #tpu.memory_space<hbm>>, %arg9: memref<80x128xi32, #tpu.memory_space<vmem>>, %arg10: memref<128x128xf32, #tpu.memory_space<vmem>>, %arg11: memref<128x128xf32, #tpu.memory_space<vmem>>, %arg12: memref<10240x128xf32, #tpu.memory_space<vmem_shared>>, %arg13: memref<!tpu.dma_semaphore, #tpu.memory_space<semaphore_mem>>, %arg14: memref<!tpu.dma_semaphore, #tpu.memory_space<semaphore_mem>>) attributes {dimension_semantics = [#tpu.dimension_semantics<core_parallel>, #tpu.dimension_semantics<subcore_parallel>], iteration_bounds = array<i64: 2, 16>, scalar_prefetch = 0 : i64, scratch_operands = 6 : i64, tpu.core_type = #tpu.core_type<sc_vector_subcore>, window_params = [{transform_indices = #map}, {transform_indices = #map}, {transform_indices = #map}, {transform_indices = #map}, {transform_indices = #map}, {transform_indices = #map}, {transform_indices = #map}]} {
    %mul3A = arith.constant 2 : i32
    %mul3A_0 = arith.muli %arg1, %mul3A : i32
    %add3A = arith.addi %mul3A_0, %arg0 : i32
    %mul3A_1 = arith.constant 80 : i32
    %mul3A_2 = arith.muli %add3A, %mul3A_1 : i32
    %mul3A_3 = arith.constant 640 : i32
    %mul3A_4 = arith.muli %arg1, %mul3A_3 : i32
    %mul3A_5 = arith.constant 640 : i32
    %mul3A_6 = arith.muli %arg1, %mul3A_5 : i32
    "tpu.region"() ({
      %run_scoped3A_33 = tpu.sem_alloc : memref<!tpu.dma_semaphore, #tpu.memory_space<semaphore_mem>>
      %dma_start3A_34 = arith.constant 0 : i32
      %dma_start3A_35 = tpu.memref_slice %arg12[%mul3A_6, %dma_start3A_34] : memref<10240x128xf32, #tpu.memory_space<vmem_shared>> -> memref<640x128xf32, #tpu.memory_space<vmem_shared>>
      %dma_start3A_36 = arith.constant 0 : i32
      %dma_start3A_37 = tpu.memref_slice %arg2[%mul3A_4, %dma_start3A_36] : memref<10240x128xf32, #tpu.memory_space<hbm>> -> memref<640x128xf32, #tpu.memory_space<hbm>>
      tpu.enqueue_dma source(%dma_start3A_37 : memref<640x128xf32, #tpu.memory_space<hbm>>) target(%dma_start3A_35 : memref<640x128xf32, #tpu.memory_space<vmem_shared>>) target_semaphore(%run_scoped3A_33 : memref<!tpu.dma_semaphore, #tpu.memory_space<semaphore_mem>>)
      %dma_wait3A = arith.constant 0 : i32
      %dma_wait3A_38 = tpu.memref_slice %arg12[%mul3A_6, %dma_wait3A] : memref<10240x128xf32, #tpu.memory_space<vmem_shared>> -> memref<640x128xf32, #tpu.memory_space<vmem_shared>>
      %dma_wait3A_39 = arith.constant 0 : i32
      %dma_wait3A_40 = tpu.memref_slice %arg2[%mul3A_4, %dma_wait3A_39] : memref<10240x128xf32, #tpu.memory_space<hbm>> -> memref<640x128xf32, #tpu.memory_space<hbm>>
      tpu.wait_dma2 semaphore(%run_scoped3A_33 : memref<!tpu.dma_semaphore, #tpu.memory_space<semaphore_mem>>) src(%dma_wait3A_40 : memref<640x128xf32, #tpu.memory_space<hbm>>) dst(%dma_wait3A_38 : memref<640x128xf32, #tpu.memory_space<vmem_shared>>)
      tpu.yield
    }) : () -> ()
    "tpu.region"() ({
      %run_scoped3A_33 = tpu.sem_alloc : memref<!tpu.dma_semaphore, #tpu.memory_space<semaphore_mem>>
      %dma_start3A_34 = arith.constant 0 : i32
      %dma_start3A_35 = tpu.memref_slice %arg3[%mul3A_2, %dma_start3A_34] : memref<2560x128xi32, #tpu.memory_space<hbm>> -> memref<80x128xi32, #tpu.memory_space<hbm>>
      %dma_start3A_36 = arith.constant 0 : i32
      %dma_start3A_37 = tpu.memref_slice %arg3[%mul3A_2, %dma_start3A_36] : memref<2560x128xi32, #tpu.memory_space<hbm>> -> memref<80x128xi32, #tpu.memory_space<hbm>>
      tpu.enqueue_dma source(%dma_start3A_37 : memref<80x128xi32, #tpu.memory_space<hbm>>) target(%arg9 : memref<80x128xi32, #tpu.memory_space<vmem>>) target_semaphore(%run_scoped3A_33 : memref<!tpu.dma_semaphore, #tpu.memory_space<semaphore_mem>>)
      %dma_wait3A = arith.constant 0 : i32
      %dma_wait3A_38 = tpu.memref_slice %arg3[%mul3A_2, %dma_wait3A] : memref<2560x128xi32, #tpu.memory_space<hbm>> -> memref<80x128xi32, #tpu.memory_space<hbm>>
      %dma_wait3A_39 = arith.constant 0 : i32
      %dma_wait3A_40 = tpu.memref_slice %arg3[%mul3A_2, %dma_wait3A_39] : memref<2560x128xi32, #tpu.memory_space<hbm>> -> memref<80x128xi32, #tpu.memory_space<hbm>>
      tpu.wait_dma2 semaphore(%run_scoped3A_33 : memref<!tpu.dma_semaphore, #tpu.memory_space<semaphore_mem>>) src(%dma_wait3A_40 : memref<80x128xi32, #tpu.memory_space<hbm>>) dst(%arg9 : memref<80x128xi32, #tpu.memory_space<vmem>>)
      tpu.yield
    }) : () -> ()
    %barrier3A = arith.constant 0 : index
    tpu.barrier barrier_id(%barrier3A)
    %run_scoped3A = arith.constant 0 : i32
    "tpu.region"() ({
      %run_scoped3A_33 = tpu.sem_alloc : memref<!tpu.dma_semaphore, #tpu.memory_space<semaphore_mem>>
      %dma_start3A_34 = arith.constant 0 : i32
      %dma_start3A_35 = tpu.memref_slice %arg9[%run_scoped3A, %dma_start3A_34] : memref<80x128xi32, #tpu.memory_space<vmem>> -> memref<1x128xi32, #tpu.memory_space<vmem>>
      %dma_start3A_36 = tpu.memref_squeeze %dma_start3A_35 : memref<1x128xi32, #tpu.memory_space<vmem>> -> memref<128xi32, #tpu.memory_space<vmem>>
      %dma_start3A_37 = arith.constant 0 : i32
      %dma_start3A_38 = arith.constant 0 : i32
      %dma_start3A_39 = tpu.memref_slice %arg12[%dma_start3A_37, %dma_start3A_38] : memref<10240x128xf32, #tpu.memory_space<vmem_shared>> -> memref<10240x128xf32, #tpu.memory_space<vmem_shared>>
      tpu.enqueue_indirect_dma source(%dma_start3A_39 : memref<10240x128xf32, #tpu.memory_space<vmem_shared>>) target(%arg10 : memref<128x128xf32, #tpu.memory_space<vmem>>) offsets(%dma_start3A_36 : memref<128xi32, #tpu.memory_space<vmem>>) semaphore(%run_scoped3A_33 : memref<!tpu.dma_semaphore, #tpu.memory_space<semaphore_mem>>)
      %dma_wait3A = arith.constant 0 : i32
      %dma_wait3A_40 = tpu.memref_slice %arg9[%run_scoped3A, %dma_wait3A] : memref<80x128xi32, #tpu.memory_space<vmem>> -> memref<1x128xi32, #tpu.memory_space<vmem>>
      %dma_wait3A_41 = tpu.memref_squeeze %dma_wait3A_40 : memref<1x128xi32, #tpu.memory_space<vmem>> -> memref<128xi32, #tpu.memory_space<vmem>>
      %dma_wait3A_42 = arith.constant 0 : i32
      %dma_wait3A_43 = arith.constant 0 : i32
      %dma_wait3A_44 = tpu.memref_slice %arg12[%dma_wait3A_42, %dma_wait3A_43] : memref<10240x128xf32, #tpu.memory_space<vmem_shared>> -> memref<10240x128xf32, #tpu.memory_space<vmem_shared>>
      tpu.wait_indirect_dma semaphore(%run_scoped3A_33 : memref<!tpu.dma_semaphore, #tpu.memory_space<semaphore_mem>>) src(%dma_wait3A_44 : memref<10240x128xf32, #tpu.memory_space<vmem_shared>>) dst(%arg10 : memref<128x128xf32, #tpu.memory_space<vmem>>)
      tpu.yield
    }) : () -> ()
    %scan3A = arith.constant 0 : i32
    %scan3A_7 = arith.constant 40 : i32
    %scan3A_8 = arith.addi %scan3A, %scan3A_7 : i32
    %scan3A_9 = arith.constant 1 : i32
    scf.for %scan3A_33 = %scan3A to %scan3A_8 step %scan3A_9  : i32 {
      %mul3A_34 = arith.constant 1 : i32
      %mul3A_35 = arith.muli %scan3A_33, %mul3A_34 : i32
      %add3A_36 = arith.constant 0 : i32
      %add3A_37 = arith.addi %add3A_36, %mul3A_35 : i32
      %mul3A_38 = arith.constant 2 : i32
      %mul3A_39 = arith.muli %add3A_37, %mul3A_38 : i32
      %add3A_40 = arith.addi %mul3A_2, %mul3A_39 : i32
      %mul3A_41 = arith.constant 128 : i32
      %mul3A_42 = arith.muli %add3A_40, %mul3A_41 : i32
      %dma_start3A_43 = arith.constant 0 : i32
      %dma_start3A_44 = tpu.memref_slice %arg8[%mul3A_42, %dma_start3A_43] : memref<327680x128xf32, #tpu.memory_space<hbm>> -> memref<128x128xf32, #tpu.memory_space<hbm>>
      %dma_start3A_45 = arith.constant 0 : i32
      %dma_start3A_46 = tpu.memref_slice %arg8[%mul3A_42, %dma_start3A_45] : memref<327680x128xf32, #tpu.memory_space<hbm>> -> memref<128x128xf32, #tpu.memory_space<hbm>>
      tpu.enqueue_dma source(%arg10 : memref<128x128xf32, #tpu.memory_space<vmem>>) target(%dma_start3A_46 : memref<128x128xf32, #tpu.memory_space<hbm>>) target_semaphore(%arg13 : memref<!tpu.dma_semaphore, #tpu.memory_space<semaphore_mem>>)
      %add3A_47 = arith.constant 1 : i32
      %add3A_48 = arith.addi %mul3A_39, %add3A_47 : i32
      "tpu.region"() ({
        %run_scoped3A_79 = tpu.sem_alloc : memref<!tpu.dma_semaphore, #tpu.memory_space<semaphore_mem>>
        %dma_start3A_80 = arith.constant 0 : i32
        %dma_start3A_81 = tpu.memref_slice %arg9[%add3A_48, %dma_start3A_80] : memref<80x128xi32, #tpu.memory_space<vmem>> -> memref<1x128xi32, #tpu.memory_space<vmem>>
        %dma_start3A_82 = tpu.memref_squeeze %dma_start3A_81 : memref<1x128xi32, #tpu.memory_space<vmem>> -> memref<128xi32, #tpu.memory_space<vmem>>
        %dma_start3A_83 = arith.constant 0 : i32
        %dma_start3A_84 = arith.constant 0 : i32
        %dma_start3A_85 = tpu.memref_slice %arg12[%dma_start3A_83, %dma_start3A_84] : memref<10240x128xf32, #tpu.memory_space<vmem_shared>> -> memref<10240x128xf32, #tpu.memory_space<vmem_shared>>
        tpu.enqueue_indirect_dma source(%dma_start3A_85 : memref<10240x128xf32, #tpu.memory_space<vmem_shared>>) target(%arg11 : memref<128x128xf32, #tpu.memory_space<vmem>>) offsets(%dma_start3A_82 : memref<128xi32, #tpu.memory_space<vmem>>) semaphore(%run_scoped3A_79 : memref<!tpu.dma_semaphore, #tpu.memory_space<semaphore_mem>>)
        %dma_wait3A_86 = arith.constant 0 : i32
        %dma_wait3A_87 = tpu.memref_slice %arg9[%add3A_48, %dma_wait3A_86] : memref<80x128xi32, #tpu.memory_space<vmem>> -> memref<1x128xi32, #tpu.memory_space<vmem>>
        %dma_wait3A_88 = tpu.memref_squeeze %dma_wait3A_87 : memref<1x128xi32, #tpu.memory_space<vmem>> -> memref<128xi32, #tpu.memory_space<vmem>>
        %dma_wait3A_89 = arith.constant 0 : i32
        %dma_wait3A_90 = arith.constant 0 : i32
        %dma_wait3A_91 = tpu.memref_slice %arg12[%dma_wait3A_89, %dma_wait3A_90] : memref<10240x128xf32, #tpu.memory_space<vmem_shared>> -> memref<10240x128xf32, #tpu.memory_space<vmem_shared>>
        tpu.wait_indirect_dma semaphore(%run_scoped3A_79 : memref<!tpu.dma_semaphore, #tpu.memory_space<semaphore_mem>>) src(%dma_wait3A_91 : memref<10240x128xf32, #tpu.memory_space<vmem_shared>>) dst(%arg11 : memref<128x128xf32, #tpu.memory_space<vmem>>)
        tpu.yield
      }) : () -> ()
      %add3A_49 = arith.addi %mul3A_2, %mul3A_39 : i32
      %mul3A_50 = arith.constant 128 : i32
      %mul3A_51 = arith.muli %add3A_49, %mul3A_50 : i32
      %dma_wait3A = arith.constant 0 : i32
      %dma_wait3A_52 = tpu.memref_slice %arg8[%mul3A_51, %dma_wait3A] : memref<327680x128xf32, #tpu.memory_space<hbm>> -> memref<128x128xf32, #tpu.memory_space<hbm>>
      %dma_wait3A_53 = arith.constant 0 : i32
      %dma_wait3A_54 = tpu.memref_slice %arg8[%mul3A_51, %dma_wait3A_53] : memref<327680x128xf32, #tpu.memory_space<hbm>> -> memref<128x128xf32, #tpu.memory_space<hbm>>
      tpu.wait_dma2 semaphore(%arg13 : memref<!tpu.dma_semaphore, #tpu.memory_space<semaphore_mem>>) src(%arg10 : memref<128x128xf32, #tpu.memory_space<vmem>>) dst(%dma_wait3A_54 : memref<128x128xf32, #tpu.memory_space<hbm>>)
      %add3A_55 = arith.addi %mul3A_2, %mul3A_39 : i32
      %add3A_56 = arith.constant 1 : i32
      %add3A_57 = arith.addi %add3A_55, %add3A_56 : i32
      %mul3A_58 = arith.constant 128 : i32
      %mul3A_59 = arith.muli %add3A_57, %mul3A_58 : i32
      %dma_start3A_60 = arith.constant 0 : i32
      %dma_start3A_61 = tpu.memref_slice %arg8[%mul3A_59, %dma_start3A_60] : memref<327680x128xf32, #tpu.memory_space<hbm>> -> memref<128x128xf32, #tpu.memory_space<hbm>>
      %dma_start3A_62 = arith.constant 0 : i32
      %dma_start3A_63 = tpu.memref_slice %arg8[%mul3A_59, %dma_start3A_62] : memref<327680x128xf32, #tpu.memory_space<hbm>> -> memref<128x128xf32, #tpu.memory_space<hbm>>
      tpu.enqueue_dma source(%arg11 : memref<128x128xf32, #tpu.memory_space<vmem>>) target(%dma_start3A_63 : memref<128x128xf32, #tpu.memory_space<hbm>>) target_semaphore(%arg14 : memref<!tpu.dma_semaphore, #tpu.memory_space<semaphore_mem>>)
      %add3A_64 = arith.constant 2 : i32
      %add3A_65 = arith.addi %mul3A_39, %add3A_64 : i32
      %lt3A = arith.constant 80 : i32
      %lt3A_66 = arith.cmpi slt, %add3A_65, %lt3A : i32
      %convert_element_type3A_67 = arith.extui %lt3A_66 : i1 to i32
      %cond3A_68 = arith.constant 0 : i32
      %cond3A_69 = arith.cmpi ne, %convert_element_type3A_67, %cond3A_68 : i32
      scf.if %cond3A_69 {
        %add3A_79 = arith.constant 2 : i32
        %add3A_80 = arith.addi %mul3A_39, %add3A_79 : i32
        "tpu.region"() ({
          %run_scoped3A_81 = tpu.sem_alloc : memref<!tpu.dma_semaphore, #tpu.memory_space<semaphore_mem>>
          %dma_start3A_82 = arith.constant 0 : i32
          %dma_start3A_83 = tpu.memref_slice %arg9[%add3A_80, %dma_start3A_82] : memref<80x128xi32, #tpu.memory_space<vmem>> -> memref<1x128xi32, #tpu.memory_space<vmem>>
          %dma_start3A_84 = tpu.memref_squeeze %dma_start3A_83 : memref<1x128xi32, #tpu.memory_space<vmem>> -> memref<128xi32, #tpu.memory_space<vmem>>
          %dma_start3A_85 = arith.constant 0 : i32
          %dma_start3A_86 = arith.constant 0 : i32
          %dma_start3A_87 = tpu.memref_slice %arg12[%dma_start3A_85, %dma_start3A_86] : memref<10240x128xf32, #tpu.memory_space<vmem_shared>> -> memref<10240x128xf32, #tpu.memory_space<vmem_shared>>
          tpu.enqueue_indirect_dma source(%dma_start3A_87 : memref<10240x128xf32, #tpu.memory_space<vmem_shared>>) target(%arg10 : memref<128x128xf32, #tpu.memory_space<vmem>>) offsets(%dma_start3A_84 : memref<128xi32, #tpu.memory_space<vmem>>) semaphore(%run_scoped3A_81 : memref<!tpu.dma_semaphore, #tpu.memory_space<semaphore_mem>>)
          %dma_wait3A_88 = arith.constant 0 : i32
          %dma_wait3A_89 = tpu.memref_slice %arg9[%add3A_80, %dma_wait3A_88] : memref<80x128xi32, #tpu.memory_space<vmem>> -> memref<1x128xi32, #tpu.memory_space<vmem>>
          %dma_wait3A_90 = tpu.memref_squeeze %dma_wait3A_89 : memref<1x128xi32, #tpu.memory_space<vmem>> -> memref<128xi32, #tpu.memory_space<vmem>>
          %dma_wait3A_91 = arith.constant 0 : i32
          %dma_wait3A_92 = arith.constant 0 : i32
          %dma_wait3A_93 = tpu.memref_slice %arg12[%dma_wait3A_91, %dma_wait3A_92] : memref<10240x128xf32, #tpu.memory_space<vmem_shared>> -> memref<10240x128xf32, #tpu.memory_space<vmem_shared>>
          tpu.wait_indirect_dma semaphore(%run_scoped3A_81 : memref<!tpu.dma_semaphore, #tpu.memory_space<semaphore_mem>>) src(%dma_wait3A_93 : memref<10240x128xf32, #tpu.memory_space<vmem_shared>>) dst(%arg10 : memref<128x128xf32, #tpu.memory_space<vmem>>)
          tpu.yield
        }) : () -> ()
      } else {
      }
      %add3A_70 = arith.addi %mul3A_2, %mul3A_39 : i32
      %add3A_71 = arith.constant 1 : i32
      %add3A_72 = arith.addi %add3A_70, %add3A_71 : i32
      %mul3A_73 = arith.constant 128 : i32
      %mul3A_74 = arith.muli %add3A_72, %mul3A_73 : i32
      %dma_wait3A_75 = arith.constant 0 : i32
      %dma_wait3A_76 = tpu.memref_slice %arg8[%mul3A_74, %dma_wait3A_75] : memref<327680x128xf32, #tpu.memory_space<hbm>> -> memref<128x128xf32, #tpu.memory_space<hbm>>
      %dma_wait3A_77 = arith.constant 0 : i32
      %dma_wait3A_78 = tpu.memref_slice %arg8[%mul3A_74, %dma_wait3A_77] : memref<327680x128xf32, #tpu.memory_space<hbm>> -> memref<128x128xf32, #tpu.memory_space<hbm>>
      tpu.wait_dma2 semaphore(%arg14 : memref<!tpu.dma_semaphore, #tpu.memory_space<semaphore_mem>>) src(%arg11 : memref<128x128xf32, #tpu.memory_space<vmem>>) dst(%dma_wait3A_78 : memref<128x128xf32, #tpu.memory_space<hbm>>)
    }
    %scan3A_10 = arith.constant 40 : i32
    %barrier3A_11 = arith.constant 0 : index
    tpu.barrier barrier_id(%barrier3A_11)
    %mul3A_12 = arith.constant 640 : i32
    %mul3A_13 = arith.muli %arg1, %mul3A_12 : i32
    "tpu.region"() ({
      %run_scoped3A_33 = tpu.sem_alloc : memref<!tpu.dma_semaphore, #tpu.memory_space<semaphore_mem>>
      %dma_start3A_34 = arith.constant 0 : i32
      %dma_start3A_35 = tpu.memref_slice %arg12[%mul3A_13, %dma_start3A_34] : memref<10240x128xf32, #tpu.memory_space<vmem_shared>> -> memref<640x128xf32, #tpu.memory_space<vmem_shared>>
      tpu.enqueue_dma source(%arg5 : memref<640x128xf32, #tpu.memory_space<hbm>>) target(%dma_start3A_35 : memref<640x128xf32, #tpu.memory_space<vmem_shared>>) target_semaphore(%run_scoped3A_33 : memref<!tpu.dma_semaphore, #tpu.memory_space<semaphore_mem>>)
      %dma_wait3A = arith.constant 0 : i32
      %dma_wait3A_36 = tpu.memref_slice %arg12[%mul3A_13, %dma_wait3A] : memref<10240x128xf32, #tpu.memory_space<vmem_shared>> -> memref<640x128xf32, #tpu.memory_space<vmem_shared>>
      tpu.wait_dma2 semaphore(%run_scoped3A_33 : memref<!tpu.dma_semaphore, #tpu.memory_space<semaphore_mem>>) src(%arg5 : memref<640x128xf32, #tpu.memory_space<hbm>>) dst(%dma_wait3A_36 : memref<640x128xf32, #tpu.memory_space<vmem_shared>>)
      tpu.yield
    }) : () -> ()
    "tpu.region"() ({
      %run_scoped3A_33 = tpu.sem_alloc : memref<!tpu.dma_semaphore, #tpu.memory_space<semaphore_mem>>
      %dma_start3A_34 = arith.constant 0 : i32
      %dma_start3A_35 = tpu.memref_slice %arg4[%mul3A_2, %dma_start3A_34] : memref<2560x128xi32, #tpu.memory_space<hbm>> -> memref<80x128xi32, #tpu.memory_space<hbm>>
      %dma_start3A_36 = arith.constant 0 : i32
      %dma_start3A_37 = tpu.memref_slice %arg4[%mul3A_2, %dma_start3A_36] : memref<2560x128xi32, #tpu.memory_space<hbm>> -> memref<80x128xi32, #tpu.memory_space<hbm>>
      tpu.enqueue_dma source(%dma_start3A_37 : memref<80x128xi32, #tpu.memory_space<hbm>>) target(%arg9 : memref<80x128xi32, #tpu.memory_space<vmem>>) target_semaphore(%run_scoped3A_33 : memref<!tpu.dma_semaphore, #tpu.memory_space<semaphore_mem>>)
      %dma_wait3A = arith.constant 0 : i32
      %dma_wait3A_38 = tpu.memref_slice %arg4[%mul3A_2, %dma_wait3A] : memref<2560x128xi32, #tpu.memory_space<hbm>> -> memref<80x128xi32, #tpu.memory_space<hbm>>
      %dma_wait3A_39 = arith.constant 0 : i32
      %dma_wait3A_40 = tpu.memref_slice %arg4[%mul3A_2, %dma_wait3A_39] : memref<2560x128xi32, #tpu.memory_space<hbm>> -> memref<80x128xi32, #tpu.memory_space<hbm>>
      tpu.wait_dma2 semaphore(%run_scoped3A_33 : memref<!tpu.dma_semaphore, #tpu.memory_space<semaphore_mem>>) src(%dma_wait3A_40 : memref<80x128xi32, #tpu.memory_space<hbm>>) dst(%arg9 : memref<80x128xi32, #tpu.memory_space<vmem>>)
      tpu.yield
    }) : () -> ()
    %barrier3A_14 = arith.constant 0 : index
    tpu.barrier barrier_id(%barrier3A_14)
    %mul3A_15 = arith.constant 128 : i32
    %mul3A_16 = arith.muli %mul3A_2, %mul3A_15 : i32
    %dma_start3A = arith.constant 0 : i32
    %dma_start3A_17 = tpu.memref_slice %arg8[%mul3A_16, %dma_start3A] : memref<327680x128xf32, #tpu.memory_space<hbm>> -> memref<128x128xf32, #tpu.memory_space<hbm>>
    %dma_start3A_18 = arith.constant 0 : i32
    %dma_start3A_19 = tpu.memref_slice %arg8[%mul3A_16, %dma_start3A_18] : memref<327680x128xf32, #tpu.memory_space<hbm>> -> memref<128x128xf32, #tpu.memory_space<hbm>>
    tpu.enqueue_dma source(%dma_start3A_19 : memref<128x128xf32, #tpu.memory_space<hbm>>) target(%arg10 : memref<128x128xf32, #tpu.memory_space<vmem>>) target_semaphore(%arg13 : memref<!tpu.dma_semaphore, #tpu.memory_space<semaphore_mem>>)
    %scan3A_20 = arith.constant 0 : i32
    %scan3A_21 = arith.constant 40 : i32
    %scan3A_22 = arith.addi %scan3A_20, %scan3A_21 : i32
    %scan3A_23 = arith.constant 1 : i32
    scf.for %scan3A_33 = %scan3A_20 to %scan3A_22 step %scan3A_23  : i32 {
      %mul3A_34 = arith.constant 1 : i32
      %mul3A_35 = arith.muli %scan3A_33, %mul3A_34 : i32
      %add3A_36 = arith.constant 0 : i32
      %add3A_37 = arith.addi %add3A_36, %mul3A_35 : i32
      %mul3A_38 = arith.constant 2 : i32
      %mul3A_39 = arith.muli %add3A_37, %mul3A_38 : i32
      %add3A_40 = arith.addi %mul3A_2, %mul3A_39 : i32
      %mul3A_41 = arith.constant 128 : i32
      %mul3A_42 = arith.muli %add3A_40, %mul3A_41 : i32
      %dma_wait3A = arith.constant 0 : i32
      %dma_wait3A_43 = tpu.memref_slice %arg8[%mul3A_42, %dma_wait3A] : memref<327680x128xf32, #tpu.memory_space<hbm>> -> memref<128x128xf32, #tpu.memory_space<hbm>>
      %dma_wait3A_44 = arith.constant 0 : i32
      %dma_wait3A_45 = tpu.memref_slice %arg8[%mul3A_42, %dma_wait3A_44] : memref<327680x128xf32, #tpu.memory_space<hbm>> -> memref<128x128xf32, #tpu.memory_space<hbm>>
      tpu.wait_dma2 semaphore(%arg13 : memref<!tpu.dma_semaphore, #tpu.memory_space<semaphore_mem>>) src(%dma_wait3A_45 : memref<128x128xf32, #tpu.memory_space<hbm>>) dst(%arg10 : memref<128x128xf32, #tpu.memory_space<vmem>>)
      %add3A_46 = arith.addi %mul3A_2, %mul3A_39 : i32
      %add3A_47 = arith.constant 1 : i32
      %add3A_48 = arith.addi %add3A_46, %add3A_47 : i32
      %mul3A_49 = arith.constant 128 : i32
      %mul3A_50 = arith.muli %add3A_48, %mul3A_49 : i32
      %dma_start3A_51 = arith.constant 0 : i32
      %dma_start3A_52 = tpu.memref_slice %arg8[%mul3A_50, %dma_start3A_51] : memref<327680x128xf32, #tpu.memory_space<hbm>> -> memref<128x128xf32, #tpu.memory_space<hbm>>
      %dma_start3A_53 = arith.constant 0 : i32
      %dma_start3A_54 = tpu.memref_slice %arg8[%mul3A_50, %dma_start3A_53] : memref<327680x128xf32, #tpu.memory_space<hbm>> -> memref<128x128xf32, #tpu.memory_space<hbm>>
      tpu.enqueue_dma source(%dma_start3A_54 : memref<128x128xf32, #tpu.memory_space<hbm>>) target(%arg11 : memref<128x128xf32, #tpu.memory_space<vmem>>) target_semaphore(%arg14 : memref<!tpu.dma_semaphore, #tpu.memory_space<semaphore_mem>>)
      "tpu.region"() ({
        %run_scoped3A_72 = tpu.sem_alloc : memref<!tpu.dma_semaphore, #tpu.memory_space<semaphore_mem>>
        %dma_start3A_73 = arith.constant 0 : i32
        %dma_start3A_74 = tpu.memref_slice %arg9[%mul3A_39, %dma_start3A_73] : memref<80x128xi32, #tpu.memory_space<vmem>> -> memref<1x128xi32, #tpu.memory_space<vmem>>
        %dma_start3A_75 = tpu.memref_squeeze %dma_start3A_74 : memref<1x128xi32, #tpu.memory_space<vmem>> -> memref<128xi32, #tpu.memory_space<vmem>>
        %dma_start3A_76 = arith.constant 0 : i32
        %dma_start3A_77 = arith.constant 0 : i32
        %dma_start3A_78 = tpu.memref_slice %arg12[%dma_start3A_76, %dma_start3A_77] : memref<10240x128xf32, #tpu.memory_space<vmem_shared>> -> memref<10240x128xf32, #tpu.memory_space<vmem_shared>>
        tpu.enqueue_indirect_dma source(%arg10 : memref<128x128xf32, #tpu.memory_space<vmem>>) target(%dma_start3A_78 : memref<10240x128xf32, #tpu.memory_space<vmem_shared>>) offsets(%dma_start3A_75 : memref<128xi32, #tpu.memory_space<vmem>>) semaphore(%run_scoped3A_72 : memref<!tpu.dma_semaphore, #tpu.memory_space<semaphore_mem>>) {add = true}
        %dma_wait3A_79 = arith.constant 0 : i32
        %dma_wait3A_80 = tpu.memref_slice %arg9[%mul3A_39, %dma_wait3A_79] : memref<80x128xi32, #tpu.memory_space<vmem>> -> memref<1x128xi32, #tpu.memory_space<vmem>>
        %dma_wait3A_81 = tpu.memref_squeeze %dma_wait3A_80 : memref<1x128xi32, #tpu.memory_space<vmem>> -> memref<128xi32, #tpu.memory_space<vmem>>
        %dma_wait3A_82 = arith.constant 0 : i32
        %dma_wait3A_83 = arith.constant 0 : i32
        %dma_wait3A_84 = tpu.memref_slice %arg12[%dma_wait3A_82, %dma_wait3A_83] : memref<10240x128xf32, #tpu.memory_space<vmem_shared>> -> memref<10240x128xf32, #tpu.memory_space<vmem_shared>>
        tpu.wait_indirect_dma semaphore(%run_scoped3A_72 : memref<!tpu.dma_semaphore, #tpu.memory_space<semaphore_mem>>) src(%arg10 : memref<128x128xf32, #tpu.memory_space<vmem>>) dst(%dma_wait3A_84 : memref<10240x128xf32, #tpu.memory_space<vmem_shared>>)
        tpu.yield
      }) : () -> ()
      %add3A_55 = arith.addi %mul3A_2, %mul3A_39 : i32
      %add3A_56 = arith.constant 1 : i32
      %add3A_57 = arith.addi %add3A_55, %add3A_56 : i32
      %mul3A_58 = arith.constant 128 : i32
      %mul3A_59 = arith.muli %add3A_57, %mul3A_58 : i32
      %dma_wait3A_60 = arith.constant 0 : i32
      %dma_wait3A_61 = tpu.memref_slice %arg8[%mul3A_59, %dma_wait3A_60] : memref<327680x128xf32, #tpu.memory_space<hbm>> -> memref<128x128xf32, #tpu.memory_space<hbm>>
      %dma_wait3A_62 = arith.constant 0 : i32
      %dma_wait3A_63 = tpu.memref_slice %arg8[%mul3A_59, %dma_wait3A_62] : memref<327680x128xf32, #tpu.memory_space<hbm>> -> memref<128x128xf32, #tpu.memory_space<hbm>>
      tpu.wait_dma2 semaphore(%arg14 : memref<!tpu.dma_semaphore, #tpu.memory_space<semaphore_mem>>) src(%dma_wait3A_63 : memref<128x128xf32, #tpu.memory_space<hbm>>) dst(%arg11 : memref<128x128xf32, #tpu.memory_space<vmem>>)
      %add3A_64 = arith.constant 2 : i32
      %add3A_65 = arith.addi %mul3A_39, %add3A_64 : i32
      %lt3A = arith.constant 80 : i32
      %lt3A_66 = arith.cmpi slt, %add3A_65, %lt3A : i32
      %convert_element_type3A_67 = arith.extui %lt3A_66 : i1 to i32
      %cond3A_68 = arith.constant 0 : i32
      %cond3A_69 = arith.cmpi ne, %convert_element_type3A_67, %cond3A_68 : i32
      scf.if %cond3A_69 {
        %add3A_72 = arith.addi %mul3A_2, %mul3A_39 : i32
        %add3A_73 = arith.constant 2 : i32
        %add3A_74 = arith.addi %add3A_72, %add3A_73 : i32
        %mul3A_75 = arith.constant 128 : i32
        %mul3A_76 = arith.muli %add3A_74, %mul3A_75 : i32
        %dma_start3A_77 = arith.constant 0 : i32
        %dma_start3A_78 = tpu.memref_slice %arg8[%mul3A_76, %dma_start3A_77] : memref<327680x128xf32, #tpu.memory_space<hbm>> -> memref<128x128xf32, #tpu.memory_space<hbm>>
        %dma_start3A_79 = arith.constant 0 : i32
        %dma_start3A_80 = tpu.memref_slice %arg8[%mul3A_76, %dma_start3A_79] : memref<327680x128xf32, #tpu.memory_space<hbm>> -> memref<128x128xf32, #tpu.memory_space<hbm>>
        tpu.enqueue_dma source(%dma_start3A_80 : memref<128x128xf32, #tpu.memory_space<hbm>>) target(%arg10 : memref<128x128xf32, #tpu.memory_space<vmem>>) target_semaphore(%arg13 : memref<!tpu.dma_semaphore, #tpu.memory_space<semaphore_mem>>)
      } else {
      }
      %add3A_70 = arith.constant 1 : i32
      %add3A_71 = arith.addi %mul3A_39, %add3A_70 : i32
      "tpu.region"() ({
        %run_scoped3A_72 = tpu.sem_alloc : memref<!tpu.dma_semaphore, #tpu.memory_space<semaphore_mem>>
        %dma_start3A_73 = arith.constant 0 : i32
        %dma_start3A_74 = tpu.memref_slice %arg9[%add3A_71, %dma_start3A_73] : memref<80x128xi32, #tpu.memory_space<vmem>> -> memref<1x128xi32, #tpu.memory_space<vmem>>
        %dma_start3A_75 = tpu.memref_squeeze %dma_start3A_74 : memref<1x128xi32, #tpu.memory_space<vmem>> -> memref<128xi32, #tpu.memory_space<vmem>>
        %dma_start3A_76 = arith.constant 0 : i32
        %dma_start3A_77 = arith.constant 0 : i32
        %dma_start3A_78 = tpu.memref_slice %arg12[%dma_start3A_76, %dma_start3A_77] : memref<10240x128xf32, #tpu.memory_space<vmem_shared>> -> memref<10240x128xf32, #tpu.memory_space<vmem_shared>>
        tpu.enqueue_indirect_dma source(%arg11 : memref<128x128xf32, #tpu.memory_space<vmem>>) target(%dma_start3A_78 : memref<10240x128xf32, #tpu.memory_space<vmem_shared>>) offsets(%dma_start3A_75 : memref<128xi32, #tpu.memory_space<vmem>>) semaphore(%run_scoped3A_72 : memref<!tpu.dma_semaphore, #tpu.memory_space<semaphore_mem>>) {add = true}
        %dma_wait3A_79 = arith.constant 0 : i32
        %dma_wait3A_80 = tpu.memref_slice %arg9[%add3A_71, %dma_wait3A_79] : memref<80x128xi32, #tpu.memory_space<vmem>> -> memref<1x128xi32, #tpu.memory_space<vmem>>
        %dma_wait3A_81 = tpu.memref_squeeze %dma_wait3A_80 : memref<1x128xi32, #tpu.memory_space<vmem>> -> memref<128xi32, #tpu.memory_space<vmem>>
        %dma_wait3A_82 = arith.constant 0 : i32
        %dma_wait3A_83 = arith.constant 0 : i32
        %dma_wait3A_84 = tpu.memref_slice %arg12[%dma_wait3A_82, %dma_wait3A_83] : memref<10240x128xf32, #tpu.memory_space<vmem_shared>> -> memref<10240x128xf32, #tpu.memory_space<vmem_shared>>
        tpu.wait_indirect_dma semaphore(%run_scoped3A_72 : memref<!tpu.dma_semaphore, #tpu.memory_space<semaphore_mem>>) src(%arg11 : memref<128x128xf32, #tpu.memory_space<vmem>>) dst(%dma_wait3A_84 : memref<10240x128xf32, #tpu.memory_space<vmem_shared>>)
        tpu.yield
      }) : () -> ()
    }
    %scan3A_24 = arith.constant 40 : i32
    %barrier3A_25 = arith.constant 0 : index
    tpu.barrier barrier_id(%barrier3A_25)
    %eq3A = arith.constant 0 : i32
    %eq3A_26 = arith.cmpi eq, %arg0, %eq3A : i32
    %convert_element_type3A = arith.extui %eq3A_26 : i1 to i32
    %cond3A = arith.constant 0 : i32
    %cond3A_27 = arith.cmpi ne, %convert_element_type3A, %cond3A : i32
    scf.if %cond3A_27 {
      %mul3A_33 = arith.constant 640 : i32
      %mul3A_34 = arith.muli %arg1, %mul3A_33 : i32
      %mul3A_35 = arith.constant 640 : i32
      %mul3A_36 = arith.muli %arg1, %mul3A_35 : i32
      "tpu.region"() ({
        %run_scoped3A_37 = tpu.sem_alloc : memref<!tpu.dma_semaphore, #tpu.memory_space<semaphore_mem>>
        %dma_start3A_38 = arith.constant 0 : i32
        %dma_start3A_39 = tpu.memref_slice %arg6[%mul3A_36, %dma_start3A_38] : memref<10240x128xf32, #tpu.memory_space<hbm>> -> memref<640x128xf32, #tpu.memory_space<hbm>>
        %dma_start3A_40 = arith.constant 0 : i32
        %dma_start3A_41 = tpu.memref_slice %arg12[%mul3A_34, %dma_start3A_40] : memref<10240x128xf32, #tpu.memory_space<vmem_shared>> -> memref<640x128xf32, #tpu.memory_space<vmem_shared>>
        tpu.enqueue_dma source(%dma_start3A_41 : memref<640x128xf32, #tpu.memory_space<vmem_shared>>) target(%dma_start3A_39 : memref<640x128xf32, #tpu.memory_space<hbm>>) target_semaphore(%run_scoped3A_37 : memref<!tpu.dma_semaphore, #tpu.memory_space<semaphore_mem>>)
        %dma_wait3A = arith.constant 0 : i32
        %dma_wait3A_42 = tpu.memref_slice %arg6[%mul3A_36, %dma_wait3A] : memref<10240x128xf32, #tpu.memory_space<hbm>> -> memref<640x128xf32, #tpu.memory_space<hbm>>
        %dma_wait3A_43 = arith.constant 0 : i32
        %dma_wait3A_44 = tpu.memref_slice %arg12[%mul3A_34, %dma_wait3A_43] : memref<10240x128xf32, #tpu.memory_space<vmem_shared>> -> memref<640x128xf32, #tpu.memory_space<vmem_shared>>
        tpu.wait_dma2 semaphore(%run_scoped3A_37 : memref<!tpu.dma_semaphore, #tpu.memory_space<semaphore_mem>>) src(%dma_wait3A_44 : memref<640x128xf32, #tpu.memory_space<vmem_shared>>) dst(%dma_wait3A_42 : memref<640x128xf32, #tpu.memory_space<hbm>>)
        tpu.yield
      }) : () -> ()
    } else {
    }
    %eq3A_28 = arith.constant 1 : i32
    %eq3A_29 = arith.cmpi eq, %arg0, %eq3A_28 : i32
    %convert_element_type3A_30 = arith.extui %eq3A_29 : i1 to i32
    %cond3A_31 = arith.constant 0 : i32
    %cond3A_32 = arith.cmpi ne, %convert_element_type3A_30, %cond3A_31 : i32
    scf.if %cond3A_32 {
      %mul3A_33 = arith.constant 640 : i32
      %mul3A_34 = arith.muli %arg1, %mul3A_33 : i32
      %mul3A_35 = arith.constant 640 : i32
      %mul3A_36 = arith.muli %arg1, %mul3A_35 : i32
      "tpu.region"() ({
        %run_scoped3A_37 = tpu.sem_alloc : memref<!tpu.dma_semaphore, #tpu.memory_space<semaphore_mem>>
        %dma_start3A_38 = arith.constant 0 : i32
        %dma_start3A_39 = tpu.memref_slice %arg7[%mul3A_36, %dma_start3A_38] : memref<10240x128xf32, #tpu.memory_space<hbm>> -> memref<640x128xf32, #tpu.memory_space<hbm>>
        %dma_start3A_40 = arith.constant 0 : i32
        %dma_start3A_41 = tpu.memref_slice %arg12[%mul3A_34, %dma_start3A_40] : memref<10240x128xf32, #tpu.memory_space<vmem_shared>> -> memref<640x128xf32, #tpu.memory_space<vmem_shared>>
        tpu.enqueue_dma source(%dma_start3A_41 : memref<640x128xf32, #tpu.memory_space<vmem_shared>>) target(%dma_start3A_39 : memref<640x128xf32, #tpu.memory_space<hbm>>) target_semaphore(%run_scoped3A_37 : memref<!tpu.dma_semaphore, #tpu.memory_space<semaphore_mem>>)
        %dma_wait3A = arith.constant 0 : i32
        %dma_wait3A_42 = tpu.memref_slice %arg7[%mul3A_36, %dma_wait3A] : memref<10240x128xf32, #tpu.memory_space<hbm>> -> memref<640x128xf32, #tpu.memory_space<hbm>>
        %dma_wait3A_43 = arith.constant 0 : i32
        %dma_wait3A_44 = tpu.memref_slice %arg12[%mul3A_34, %dma_wait3A_43] : memref<10240x128xf32, #tpu.memory_space<vmem_shared>> -> memref<640x128xf32, #tpu.memory_space<vmem_shared>>
        tpu.wait_dma2 semaphore(%run_scoped3A_37 : memref<!tpu.dma_semaphore, #tpu.memory_space<semaphore_mem>>) src(%dma_wait3A_44 : memref<640x128xf32, #tpu.memory_space<vmem_shared>>) dst(%dma_wait3A_42 : memref<640x128xf32, #tpu.memory_space<hbm>>)
        tpu.yield
      }) : () -> ()
    } else {
    }
    return
  }
}

#map = affine_map<(d0, d1) -> (0, 0)>
module attributes {stable_mosaic.version = 14 : i64} {
  func.func @k(%arg0: i32, %arg1: i32, %arg2: memref<10240x128xf32, #tpu.memory_space<hbm>>, %arg3: memref<2560x128xi32, #tpu.memory_space<hbm>>, %arg4: memref<2560x128xi32, #tpu.memory_space<hbm>>, %arg5: memref<640x128xf32, #tpu.memory_space<hbm>>, %arg6: memref<10240x128xf32, #tpu.memory_space<hbm>>, %arg7: memref<10240x128xf32, #tpu.memory_space<hbm>>, %arg8: memref<327680x128xf32, #tpu.memory_space<hbm>>, %arg9: memref<80x128xi32, #tpu.memory_space<vmem>>, %arg10: memref<128x128xf32, #tpu.memory_space<vmem>>, %arg11: memref<128x128xf32, #tpu.memory_space<vmem>>, %arg12: memref<10240x128xf32, #tpu.memory_space<vmem_shared>>, %arg13: memref<!tpu.dma_semaphore, #tpu.memory_space<semaphore_mem>>, %arg14: memref<!tpu.dma_semaphore, #tpu.memory_space<semaphore_mem>>) attributes {dimension_semantics = [#tpu.dimension_semantics<core_parallel>, #tpu.dimension_semantics<subcore_parallel>], iteration_bounds = array<i64: 2, 16>, scalar_prefetch = 0 : i64, scratch_operands = 6 : i64, tpu.core_type = #tpu.core_type<sc_vector_subcore>, window_params = [{transform_indices = #map}, {transform_indices = #map}, {transform_indices = #map}, {transform_indices = #map}, {transform_indices = #map}, {transform_indices = #map}, {transform_indices = #map}]} {
    %mul3A = arith.constant 2 : i32
    %mul3A_0 = arith.muli %arg1, %mul3A : i32
    %add3A = arith.addi %mul3A_0, %arg0 : i32
    %mul3A_1 = arith.constant 80 : i32
    %mul3A_2 = arith.muli %add3A, %mul3A_1 : i32
    %mul3A_3 = arith.constant 640 : i32
    %mul3A_4 = arith.muli %arg1, %mul3A_3 : i32
    %mul3A_5 = arith.constant 640 : i32
    %mul3A_6 = arith.muli %arg1, %mul3A_5 : i32
    "tpu.region"() ({
      %run_scoped3A_33 = tpu.sem_alloc : memref<!tpu.dma_semaphore, #tpu.memory_space<semaphore_mem>>
      %dma_start3A_34 = arith.constant 0 : i32
      %dma_start3A_35 = tpu.memref_slice %arg12[%mul3A_6, %dma_start3A_34] : memref<10240x128xf32, #tpu.memory_space<vmem_shared>> -> memref<640x128xf32, #tpu.memory_space<vmem_shared>>
      %dma_start3A_36 = arith.constant 0 : i32
      %dma_start3A_37 = tpu.memref_slice %arg2[%mul3A_4, %dma_start3A_36] : memref<10240x128xf32, #tpu.memory_space<hbm>> -> memref<640x128xf32, #tpu.memory_space<hbm>>
      tpu.enqueue_dma source(%dma_start3A_37 : memref<640x128xf32, #tpu.memory_space<hbm>>) target(%dma_start3A_35 : memref<640x128xf32, #tpu.memory_space<vmem_shared>>) target_semaphore(%run_scoped3A_33 : memref<!tpu.dma_semaphore, #tpu.memory_space<semaphore_mem>>)
      %dma_wait3A = arith.constant 0 : i32
      %dma_wait3A_38 = tpu.memref_slice %arg12[%mul3A_6, %dma_wait3A] : memref<10240x128xf32, #tpu.memory_space<vmem_shared>> -> memref<640x128xf32, #tpu.memory_space<vmem_shared>>
      %dma_wait3A_39 = arith.constant 0 : i32
      %dma_wait3A_40 = tpu.memref_slice %arg2[%mul3A_4, %dma_wait3A_39] : memref<10240x128xf32, #tpu.memory_space<hbm>> -> memref<640x128xf32, #tpu.memory_space<hbm>>
      tpu.wait_dma2 semaphore(%run_scoped3A_33 : memref<!tpu.dma_semaphore, #tpu.memory_space<semaphore_mem>>) src(%dma_wait3A_40 : memref<640x128xf32, #tpu.memory_space<hbm>>) dst(%dma_wait3A_38 : memref<640x128xf32, #tpu.memory_space<vmem_shared>>)
      tpu.yield
    }) : () -> ()
    "tpu.region"() ({
      %run_scoped3A_33 = tpu.sem_alloc : memref<!tpu.dma_semaphore, #tpu.memory_space<semaphore_mem>>
      %dma_start3A_34 = arith.constant 0 : i32
      %dma_start3A_35 = tpu.memref_slice %arg3[%mul3A_2, %dma_start3A_34] : memref<2560x128xi32, #tpu.memory_space<hbm>> -> memref<80x128xi32, #tpu.memory_space<hbm>>
      %dma_start3A_36 = arith.constant 0 : i32
      %dma_start3A_37 = tpu.memref_slice %arg3[%mul3A_2, %dma_start3A_36] : memref<2560x128xi32, #tpu.memory_space<hbm>> -> memref<80x128xi32, #tpu.memory_space<hbm>>
      tpu.enqueue_dma source(%dma_start3A_37 : memref<80x128xi32, #tpu.memory_space<hbm>>) target(%arg9 : memref<80x128xi32, #tpu.memory_space<vmem>>) target_semaphore(%run_scoped3A_33 : memref<!tpu.dma_semaphore, #tpu.memory_space<semaphore_mem>>)
      %dma_wait3A = arith.constant 0 : i32
      %dma_wait3A_38 = tpu.memref_slice %arg3[%mul3A_2, %dma_wait3A] : memref<2560x128xi32, #tpu.memory_space<hbm>> -> memref<80x128xi32, #tpu.memory_space<hbm>>
      %dma_wait3A_39 = arith.constant 0 : i32
      %dma_wait3A_40 = tpu.memref_slice %arg3[%mul3A_2, %dma_wait3A_39] : memref<2560x128xi32, #tpu.memory_space<hbm>> -> memref<80x128xi32, #tpu.memory_space<hbm>>
      tpu.wait_dma2 semaphore(%run_scoped3A_33 : memref<!tpu.dma_semaphore, #tpu.memory_space<semaphore_mem>>) src(%dma_wait3A_40 : memref<80x128xi32, #tpu.memory_space<hbm>>) dst(%arg9 : memref<80x128xi32, #tpu.memory_space<vmem>>)
      tpu.yield
    }) : () -> ()
    %barrier3A = arith.constant 0 : index
    tpu.barrier barrier_id(%barrier3A)
    %run_scoped3A = arith.constant 0 : i32
    "tpu.region"() ({
      %run_scoped3A_33 = tpu.sem_alloc : memref<!tpu.dma_semaphore, #tpu.memory_space<semaphore_mem>>
      %dma_start3A_34 = arith.constant 0 : i32
      %dma_start3A_35 = tpu.memref_slice %arg9[%run_scoped3A, %dma_start3A_34] : memref<80x128xi32, #tpu.memory_space<vmem>> -> memref<1x128xi32, #tpu.memory_space<vmem>>
      %dma_start3A_36 = tpu.memref_squeeze %dma_start3A_35 : memref<1x128xi32, #tpu.memory_space<vmem>> -> memref<128xi32, #tpu.memory_space<vmem>>
      %dma_start3A_37 = arith.constant 0 : i32
      %dma_start3A_38 = arith.constant 0 : i32
      %dma_start3A_39 = tpu.memref_slice %arg12[%dma_start3A_37, %dma_start3A_38] : memref<10240x128xf32, #tpu.memory_space<vmem_shared>> -> memref<10240x128xf32, #tpu.memory_space<vmem_shared>>
      tpu.enqueue_indirect_dma source(%dma_start3A_39 : memref<10240x128xf32, #tpu.memory_space<vmem_shared>>) target(%arg10 : memref<128x128xf32, #tpu.memory_space<vmem>>) offsets(%dma_start3A_36 : memref<128xi32, #tpu.memory_space<vmem>>) semaphore(%run_scoped3A_33 : memref<!tpu.dma_semaphore, #tpu.memory_space<semaphore_mem>>)
      %dma_wait3A = arith.constant 0 : i32
      %dma_wait3A_40 = tpu.memref_slice %arg9[%run_scoped3A, %dma_wait3A] : memref<80x128xi32, #tpu.memory_space<vmem>> -> memref<1x128xi32, #tpu.memory_space<vmem>>
      %dma_wait3A_41 = tpu.memref_squeeze %dma_wait3A_40 : memref<1x128xi32, #tpu.memory_space<vmem>> -> memref<128xi32, #tpu.memory_space<vmem>>
      %dma_wait3A_42 = arith.constant 0 : i32
      %dma_wait3A_43 = arith.constant 0 : i32
      %dma_wait3A_44 = tpu.memref_slice %arg12[%dma_wait3A_42, %dma_wait3A_43] : memref<10240x128xf32, #tpu.memory_space<vmem_shared>> -> memref<10240x128xf32, #tpu.memory_space<vmem_shared>>
      tpu.wait_indirect_dma semaphore(%run_scoped3A_33 : memref<!tpu.dma_semaphore, #tpu.memory_space<semaphore_mem>>) src(%dma_wait3A_44 : memref<10240x128xf32, #tpu.memory_space<vmem_shared>>) dst(%arg10 : memref<128x128xf32, #tpu.memory_space<vmem>>)
      tpu.yield
    }) : () -> ()
    %scan3A = arith.constant 0 : i32
    %scan3A_7 = arith.constant 40 : i32
    %scan3A_8 = arith.addi %scan3A, %scan3A_7 : i32
    %scan3A_9 = arith.constant 1 : i32
    scf.for %scan3A_33 = %scan3A to %scan3A_8 step %scan3A_9  : i32 {
      %mul3A_34 = arith.constant 1 : i32
      %mul3A_35 = arith.muli %scan3A_33, %mul3A_34 : i32
      %add3A_36 = arith.constant 0 : i32
      %add3A_37 = arith.addi %add3A_36, %mul3A_35 : i32
      %mul3A_38 = arith.constant 2 : i32
      %mul3A_39 = arith.muli %add3A_37, %mul3A_38 : i32
      %add3A_40 = arith.addi %mul3A_2, %mul3A_39 : i32
      %mul3A_41 = arith.constant 128 : i32
      %mul3A_42 = arith.muli %add3A_40, %mul3A_41 : i32
      %dma_start3A_43 = arith.constant 0 : i32
      %dma_start3A_44 = tpu.memref_slice %arg8[%mul3A_42, %dma_start3A_43] : memref<327680x128xf32, #tpu.memory_space<hbm>> -> memref<128x128xf32, #tpu.memory_space<hbm>>
      %dma_start3A_45 = arith.constant 0 : i32
      %dma_start3A_46 = tpu.memref_slice %arg8[%mul3A_42, %dma_start3A_45] : memref<327680x128xf32, #tpu.memory_space<hbm>> -> memref<128x128xf32, #tpu.memory_space<hbm>>
      tpu.enqueue_dma source(%arg10 : memref<128x128xf32, #tpu.memory_space<vmem>>) target(%dma_start3A_46 : memref<128x128xf32, #tpu.memory_space<hbm>>) target_semaphore(%arg13 : memref<!tpu.dma_semaphore, #tpu.memory_space<semaphore_mem>>)
      %add3A_47 = arith.constant 1 : i32
      %add3A_48 = arith.addi %mul3A_39, %add3A_47 : i32
      "tpu.region"() ({
        %run_scoped3A_79 = tpu.sem_alloc : memref<!tpu.dma_semaphore, #tpu.memory_space<semaphore_mem>>
        %dma_start3A_80 = arith.constant 0 : i32
        %dma_start3A_81 = tpu.memref_slice %arg9[%add3A_48, %dma_start3A_80] : memref<80x128xi32, #tpu.memory_space<vmem>> -> memref<1x128xi32, #tpu.memory_space<vmem>>
        %dma_start3A_82 = tpu.memref_squeeze %dma_start3A_81 : memref<1x128xi32, #tpu.memory_space<vmem>> -> memref<128xi32, #tpu.memory_space<vmem>>
        %dma_start3A_83 = arith.constant 0 : i32
        %dma_start3A_84 = arith.constant 0 : i32
        %dma_start3A_85 = tpu.memref_slice %arg12[%dma_start3A_83, %dma_start3A_84] : memref<10240x128xf32, #tpu.memory_space<vmem_shared>> -> memref<10240x128xf32, #tpu.memory_space<vmem_shared>>
        tpu.enqueue_indirect_dma source(%dma_start3A_85 : memref<10240x128xf32, #tpu.memory_space<vmem_shared>>) target(%arg11 : memref<128x128xf32, #tpu.memory_space<vmem>>) offsets(%dma_start3A_82 : memref<128xi32, #tpu.memory_space<vmem>>) semaphore(%run_scoped3A_79 : memref<!tpu.dma_semaphore, #tpu.memory_space<semaphore_mem>>)
        %dma_wait3A_86 = arith.constant 0 : i32
        %dma_wait3A_87 = tpu.memref_slice %arg9[%add3A_48, %dma_wait3A_86] : memref<80x128xi32, #tpu.memory_space<vmem>> -> memref<1x128xi32, #tpu.memory_space<vmem>>
        %dma_wait3A_88 = tpu.memref_squeeze %dma_wait3A_87 : memref<1x128xi32, #tpu.memory_space<vmem>> -> memref<128xi32, #tpu.memory_space<vmem>>
        %dma_wait3A_89 = arith.constant 0 : i32
        %dma_wait3A_90 = arith.constant 0 : i32
        %dma_wait3A_91 = tpu.memref_slice %arg12[%dma_wait3A_89, %dma_wait3A_90] : memref<10240x128xf32, #tpu.memory_space<vmem_shared>> -> memref<10240x128xf32, #tpu.memory_space<vmem_shared>>
        tpu.wait_indirect_dma semaphore(%run_scoped3A_79 : memref<!tpu.dma_semaphore, #tpu.memory_space<semaphore_mem>>) src(%dma_wait3A_91 : memref<10240x128xf32, #tpu.memory_space<vmem_shared>>) dst(%arg11 : memref<128x128xf32, #tpu.memory_space<vmem>>)
        tpu.yield
      }) : () -> ()
      %add3A_49 = arith.addi %mul3A_2, %mul3A_39 : i32
      %mul3A_50 = arith.constant 128 : i32
      %mul3A_51 = arith.muli %add3A_49, %mul3A_50 : i32
      %dma_wait3A = arith.constant 0 : i32
      %dma_wait3A_52 = tpu.memref_slice %arg8[%mul3A_51, %dma_wait3A] : memref<327680x128xf32, #tpu.memory_space<hbm>> -> memref<128x128xf32, #tpu.memory_space<hbm>>
      %dma_wait3A_53 = arith.constant 0 : i32
      %dma_wait3A_54 = tpu.memref_slice %arg8[%mul3A_51, %dma_wait3A_53] : memref<327680x128xf32, #tpu.memory_space<hbm>> -> memref<128x128xf32, #tpu.memory_space<hbm>>
      tpu.wait_dma2 semaphore(%arg13 : memref<!tpu.dma_semaphore, #tpu.memory_space<semaphore_mem>>) src(%arg10 : memref<128x128xf32, #tpu.memory_space<vmem>>) dst(%dma_wait3A_54 : memref<128x128xf32, #tpu.memory_space<hbm>>)
      %add3A_55 = arith.addi %mul3A_2, %mul3A_39 : i32
      %add3A_56 = arith.constant 1 : i32
      %add3A_57 = arith.addi %add3A_55, %add3A_56 : i32
      %mul3A_58 = arith.constant 128 : i32
      %mul3A_59 = arith.muli %add3A_57, %mul3A_58 : i32
      %dma_start3A_60 = arith.constant 0 : i32
      %dma_start3A_61 = tpu.memref_slice %arg8[%mul3A_59, %dma_start3A_60] : memref<327680x128xf32, #tpu.memory_space<hbm>> -> memref<128x128xf32, #tpu.memory_space<hbm>>
      %dma_start3A_62 = arith.constant 0 : i32
      %dma_start3A_63 = tpu.memref_slice %arg8[%mul3A_59, %dma_start3A_62] : memref<327680x128xf32, #tpu.memory_space<hbm>> -> memref<128x128xf32, #tpu.memory_space<hbm>>
      tpu.enqueue_dma source(%arg11 : memref<128x128xf32, #tpu.memory_space<vmem>>) target(%dma_start3A_63 : memref<128x128xf32, #tpu.memory_space<hbm>>) target_semaphore(%arg14 : memref<!tpu.dma_semaphore, #tpu.memory_space<semaphore_mem>>)
      %add3A_64 = arith.constant 2 : i32
      %add3A_65 = arith.addi %mul3A_39, %add3A_64 : i32
      %lt3A = arith.constant 80 : i32
      %lt3A_66 = arith.cmpi slt, %add3A_65, %lt3A : i32
      %convert_element_type3A_67 = arith.extui %lt3A_66 : i1 to i32
      %cond3A_68 = arith.constant 0 : i32
      %cond3A_69 = arith.cmpi ne, %convert_element_type3A_67, %cond3A_68 : i32
      scf.if %cond3A_69 {
        %add3A_79 = arith.constant 2 : i32
        %add3A_80 = arith.addi %mul3A_39, %add3A_79 : i32
        "tpu.region"() ({
          %run_scoped3A_81 = tpu.sem_alloc : memref<!tpu.dma_semaphore, #tpu.memory_space<semaphore_mem>>
          %dma_start3A_82 = arith.constant 0 : i32
          %dma_start3A_83 = tpu.memref_slice %arg9[%add3A_80, %dma_start3A_82] : memref<80x128xi32, #tpu.memory_space<vmem>> -> memref<1x128xi32, #tpu.memory_space<vmem>>
          %dma_start3A_84 = tpu.memref_squeeze %dma_start3A_83 : memref<1x128xi32, #tpu.memory_space<vmem>> -> memref<128xi32, #tpu.memory_space<vmem>>
          %dma_start3A_85 = arith.constant 0 : i32
          %dma_start3A_86 = arith.constant 0 : i32
          %dma_start3A_87 = tpu.memref_slice %arg12[%dma_start3A_85, %dma_start3A_86] : memref<10240x128xf32, #tpu.memory_space<vmem_shared>> -> memref<10240x128xf32, #tpu.memory_space<vmem_shared>>
          tpu.enqueue_indirect_dma source(%dma_start3A_87 : memref<10240x128xf32, #tpu.memory_space<vmem_shared>>) target(%arg10 : memref<128x128xf32, #tpu.memory_space<vmem>>) offsets(%dma_start3A_84 : memref<128xi32, #tpu.memory_space<vmem>>) semaphore(%run_scoped3A_81 : memref<!tpu.dma_semaphore, #tpu.memory_space<semaphore_mem>>)
          %dma_wait3A_88 = arith.constant 0 : i32
          %dma_wait3A_89 = tpu.memref_slice %arg9[%add3A_80, %dma_wait3A_88] : memref<80x128xi32, #tpu.memory_space<vmem>> -> memref<1x128xi32, #tpu.memory_space<vmem>>
          %dma_wait3A_90 = tpu.memref_squeeze %dma_wait3A_89 : memref<1x128xi32, #tpu.memory_space<vmem>> -> memref<128xi32, #tpu.memory_space<vmem>>
          %dma_wait3A_91 = arith.constant 0 : i32
          %dma_wait3A_92 = arith.constant 0 : i32
          %dma_wait3A_93 = tpu.memref_slice %arg12[%dma_wait3A_91, %dma_wait3A_92] : memref<10240x128xf32, #tpu.memory_space<vmem_shared>> -> memref<10240x128xf32, #tpu.memory_space<vmem_shared>>
          tpu.wait_indirect_dma semaphore(%run_scoped3A_81 : memref<!tpu.dma_semaphore, #tpu.memory_space<semaphore_mem>>) src(%dma_wait3A_93 : memref<10240x128xf32, #tpu.memory_space<vmem_shared>>) dst(%arg10 : memref<128x128xf32, #tpu.memory_space<vmem>>)
          tpu.yield
        }) : () -> ()
      } else {
      }
      %add3A_70 = arith.addi %mul3A_2, %mul3A_39 : i32
      %add3A_71 = arith.constant 1 : i32
      %add3A_72 = arith.addi %add3A_70, %add3A_71 : i32
      %mul3A_73 = arith.constant 128 : i32
      %mul3A_74 = arith.muli %add3A_72, %mul3A_73 : i32
      %dma_wait3A_75 = arith.constant 0 : i32
      %dma_wait3A_76 = tpu.memref_slice %arg8[%mul3A_74, %dma_wait3A_75] : memref<327680x128xf32, #tpu.memory_space<hbm>> -> memref<128x128xf32, #tpu.memory_space<hbm>>
      %dma_wait3A_77 = arith.constant 0 : i32
      %dma_wait3A_78 = tpu.memref_slice %arg8[%mul3A_74, %dma_wait3A_77] : memref<327680x128xf32, #tpu.memory_space<hbm>> -> memref<128x128xf32, #tpu.memory_space<hbm>>
      tpu.wait_dma2 semaphore(%arg14 : memref<!tpu.dma_semaphore, #tpu.memory_space<semaphore_mem>>) src(%arg11 : memref<128x128xf32, #tpu.memory_space<vmem>>) dst(%dma_wait3A_78 : memref<128x128xf32, #tpu.memory_space<hbm>>)
    }
    %scan3A_10 = arith.constant 40 : i32
    %barrier3A_11 = arith.constant 0 : index
    tpu.barrier barrier_id(%barrier3A_11)
    %mul3A_12 = arith.constant 640 : i32
    %mul3A_13 = arith.muli %arg1, %mul3A_12 : i32
    "tpu.region"() ({
      %run_scoped3A_33 = tpu.sem_alloc : memref<!tpu.dma_semaphore, #tpu.memory_space<semaphore_mem>>
      %dma_start3A_34 = arith.constant 0 : i32
      %dma_start3A_35 = tpu.memref_slice %arg12[%mul3A_13, %dma_start3A_34] : memref<10240x128xf32, #tpu.memory_space<vmem_shared>> -> memref<640x128xf32, #tpu.memory_space<vmem_shared>>
      tpu.enqueue_dma source(%arg5 : memref<640x128xf32, #tpu.memory_space<hbm>>) target(%dma_start3A_35 : memref<640x128xf32, #tpu.memory_space<vmem_shared>>) target_semaphore(%run_scoped3A_33 : memref<!tpu.dma_semaphore, #tpu.memory_space<semaphore_mem>>)
      %dma_wait3A = arith.constant 0 : i32
      %dma_wait3A_36 = tpu.memref_slice %arg12[%mul3A_13, %dma_wait3A] : memref<10240x128xf32, #tpu.memory_space<vmem_shared>> -> memref<640x128xf32, #tpu.memory_space<vmem_shared>>
      tpu.wait_dma2 semaphore(%run_scoped3A_33 : memref<!tpu.dma_semaphore, #tpu.memory_space<semaphore_mem>>) src(%arg5 : memref<640x128xf32, #tpu.memory_space<hbm>>) dst(%dma_wait3A_36 : memref<640x128xf32, #tpu.memory_space<vmem_shared>>)
      tpu.yield
    }) : () -> ()
    "tpu.region"() ({
      %run_scoped3A_33 = tpu.sem_alloc : memref<!tpu.dma_semaphore, #tpu.memory_space<semaphore_mem>>
      %dma_start3A_34 = arith.constant 0 : i32
      %dma_start3A_35 = tpu.memref_slice %arg4[%mul3A_2, %dma_start3A_34] : memref<2560x128xi32, #tpu.memory_space<hbm>> -> memref<80x128xi32, #tpu.memory_space<hbm>>
      %dma_start3A_36 = arith.constant 0 : i32
      %dma_start3A_37 = tpu.memref_slice %arg4[%mul3A_2, %dma_start3A_36] : memref<2560x128xi32, #tpu.memory_space<hbm>> -> memref<80x128xi32, #tpu.memory_space<hbm>>
      tpu.enqueue_dma source(%dma_start3A_37 : memref<80x128xi32, #tpu.memory_space<hbm>>) target(%arg9 : memref<80x128xi32, #tpu.memory_space<vmem>>) target_semaphore(%run_scoped3A_33 : memref<!tpu.dma_semaphore, #tpu.memory_space<semaphore_mem>>)
      %dma_wait3A = arith.constant 0 : i32
      %dma_wait3A_38 = tpu.memref_slice %arg4[%mul3A_2, %dma_wait3A] : memref<2560x128xi32, #tpu.memory_space<hbm>> -> memref<80x128xi32, #tpu.memory_space<hbm>>
      %dma_wait3A_39 = arith.constant 0 : i32
      %dma_wait3A_40 = tpu.memref_slice %arg4[%mul3A_2, %dma_wait3A_39] : memref<2560x128xi32, #tpu.memory_space<hbm>> -> memref<80x128xi32, #tpu.memory_space<hbm>>
      tpu.wait_dma2 semaphore(%run_scoped3A_33 : memref<!tpu.dma_semaphore, #tpu.memory_space<semaphore_mem>>) src(%dma_wait3A_40 : memref<80x128xi32, #tpu.memory_space<hbm>>) dst(%arg9 : memref<80x128xi32, #tpu.memory_space<vmem>>)
      tpu.yield
    }) : () -> ()
    %barrier3A_14 = arith.constant 0 : index
    tpu.barrier barrier_id(%barrier3A_14)
    %mul3A_15 = arith.constant 128 : i32
    %mul3A_16 = arith.muli %mul3A_2, %mul3A_15 : i32
    %dma_start3A = arith.constant 0 : i32
    %dma_start3A_17 = tpu.memref_slice %arg8[%mul3A_16, %dma_start3A] : memref<327680x128xf32, #tpu.memory_space<hbm>> -> memref<128x128xf32, #tpu.memory_space<hbm>>
    %dma_start3A_18 = arith.constant 0 : i32
    %dma_start3A_19 = tpu.memref_slice %arg8[%mul3A_16, %dma_start3A_18] : memref<327680x128xf32, #tpu.memory_space<hbm>> -> memref<128x128xf32, #tpu.memory_space<hbm>>
    tpu.enqueue_dma source(%dma_start3A_19 : memref<128x128xf32, #tpu.memory_space<hbm>>) target(%arg10 : memref<128x128xf32, #tpu.memory_space<vmem>>) target_semaphore(%arg13 : memref<!tpu.dma_semaphore, #tpu.memory_space<semaphore_mem>>)
    %scan3A_20 = arith.constant 0 : i32
    %scan3A_21 = arith.constant 40 : i32
    %scan3A_22 = arith.addi %scan3A_20, %scan3A_21 : i32
    %scan3A_23 = arith.constant 1 : i32
    scf.for %scan3A_33 = %scan3A_20 to %scan3A_22 step %scan3A_23  : i32 {
      %mul3A_34 = arith.constant 1 : i32
      %mul3A_35 = arith.muli %scan3A_33, %mul3A_34 : i32
      %add3A_36 = arith.constant 0 : i32
      %add3A_37 = arith.addi %add3A_36, %mul3A_35 : i32
      %mul3A_38 = arith.constant 2 : i32
      %mul3A_39 = arith.muli %add3A_37, %mul3A_38 : i32
      %add3A_40 = arith.addi %mul3A_2, %mul3A_39 : i32
      %mul3A_41 = arith.constant 128 : i32
      %mul3A_42 = arith.muli %add3A_40, %mul3A_41 : i32
      %dma_wait3A = arith.constant 0 : i32
      %dma_wait3A_43 = tpu.memref_slice %arg8[%mul3A_42, %dma_wait3A] : memref<327680x128xf32, #tpu.memory_space<hbm>> -> memref<128x128xf32, #tpu.memory_space<hbm>>
      %dma_wait3A_44 = arith.constant 0 : i32
      %dma_wait3A_45 = tpu.memref_slice %arg8[%mul3A_42, %dma_wait3A_44] : memref<327680x128xf32, #tpu.memory_space<hbm>> -> memref<128x128xf32, #tpu.memory_space<hbm>>
      tpu.wait_dma2 semaphore(%arg13 : memref<!tpu.dma_semaphore, #tpu.memory_space<semaphore_mem>>) src(%dma_wait3A_45 : memref<128x128xf32, #tpu.memory_space<hbm>>) dst(%arg10 : memref<128x128xf32, #tpu.memory_space<vmem>>)
      %add3A_46 = arith.addi %mul3A_2, %mul3A_39 : i32
      %add3A_47 = arith.constant 1 : i32
      %add3A_48 = arith.addi %add3A_46, %add3A_47 : i32
      %mul3A_49 = arith.constant 128 : i32
      %mul3A_50 = arith.muli %add3A_48, %mul3A_49 : i32
      %dma_start3A_51 = arith.constant 0 : i32
      %dma_start3A_52 = tpu.memref_slice %arg8[%mul3A_50, %dma_start3A_51] : memref<327680x128xf32, #tpu.memory_space<hbm>> -> memref<128x128xf32, #tpu.memory_space<hbm>>
      %dma_start3A_53 = arith.constant 0 : i32
      %dma_start3A_54 = tpu.memref_slice %arg8[%mul3A_50, %dma_start3A_53] : memref<327680x128xf32, #tpu.memory_space<hbm>> -> memref<128x128xf32, #tpu.memory_space<hbm>>
      tpu.enqueue_dma source(%dma_start3A_54 : memref<128x128xf32, #tpu.memory_space<hbm>>) target(%arg11 : memref<128x128xf32, #tpu.memory_space<vmem>>) target_semaphore(%arg14 : memref<!tpu.dma_semaphore, #tpu.memory_space<semaphore_mem>>)
      "tpu.region"() ({
        %run_scoped3A_72 = tpu.sem_alloc : memref<!tpu.dma_semaphore, #tpu.memory_space<semaphore_mem>>
        %dma_start3A_73 = arith.constant 0 : i32
        %dma_start3A_74 = tpu.memref_slice %arg9[%mul3A_39, %dma_start3A_73] : memref<80x128xi32, #tpu.memory_space<vmem>> -> memref<1x128xi32, #tpu.memory_space<vmem>>
        %dma_start3A_75 = tpu.memref_squeeze %dma_start3A_74 : memref<1x128xi32, #tpu.memory_space<vmem>> -> memref<128xi32, #tpu.memory_space<vmem>>
        %dma_start3A_76 = arith.constant 0 : i32
        %dma_start3A_77 = arith.constant 0 : i32
        %dma_start3A_78 = tpu.memref_slice %arg12[%dma_start3A_76, %dma_start3A_77] : memref<10240x128xf32, #tpu.memory_space<vmem_shared>> -> memref<10240x128xf32, #tpu.memory_space<vmem_shared>>
        tpu.enqueue_indirect_dma source(%arg10 : memref<128x128xf32, #tpu.memory_space<vmem>>) target(%dma_start3A_78 : memref<10240x128xf32, #tpu.memory_space<vmem_shared>>) offsets(%dma_start3A_75 : memref<128xi32, #tpu.memory_space<vmem>>) semaphore(%run_scoped3A_72 : memref<!tpu.dma_semaphore, #tpu.memory_space<semaphore_mem>>) {add = true}
        %dma_wait3A_79 = arith.constant 0 : i32
        %dma_wait3A_80 = tpu.memref_slice %arg9[%mul3A_39, %dma_wait3A_79] : memref<80x128xi32, #tpu.memory_space<vmem>> -> memref<1x128xi32, #tpu.memory_space<vmem>>
        %dma_wait3A_81 = tpu.memref_squeeze %dma_wait3A_80 : memref<1x128xi32, #tpu.memory_space<vmem>> -> memref<128xi32, #tpu.memory_space<vmem>>
        %dma_wait3A_82 = arith.constant 0 : i32
        %dma_wait3A_83 = arith.constant 0 : i32
        %dma_wait3A_84 = tpu.memref_slice %arg12[%dma_wait3A_82, %dma_wait3A_83] : memref<10240x128xf32, #tpu.memory_space<vmem_shared>> -> memref<10240x128xf32, #tpu.memory_space<vmem_shared>>
        tpu.wait_indirect_dma semaphore(%run_scoped3A_72 : memref<!tpu.dma_semaphore, #tpu.memory_space<semaphore_mem>>) src(%arg10 : memref<128x128xf32, #tpu.memory_space<vmem>>) dst(%dma_wait3A_84 : memref<10240x128xf32, #tpu.memory_space<vmem_shared>>)
        tpu.yield
      }) : () -> ()
      %add3A_55 = arith.addi %mul3A_2, %mul3A_39 : i32
      %add3A_56 = arith.constant 1 : i32
      %add3A_57 = arith.addi %add3A_55, %add3A_56 : i32
      %mul3A_58 = arith.constant 128 : i32
      %mul3A_59 = arith.muli %add3A_57, %mul3A_58 : i32
      %dma_wait3A_60 = arith.constant 0 : i32
      %dma_wait3A_61 = tpu.memref_slice %arg8[%mul3A_59, %dma_wait3A_60] : memref<327680x128xf32, #tpu.memory_space<hbm>> -> memref<128x128xf32, #tpu.memory_space<hbm>>
      %dma_wait3A_62 = arith.constant 0 : i32
      %dma_wait3A_63 = tpu.memref_slice %arg8[%mul3A_59, %dma_wait3A_62] : memref<327680x128xf32, #tpu.memory_space<hbm>> -> memref<128x128xf32, #tpu.memory_space<hbm>>
      tpu.wait_dma2 semaphore(%arg14 : memref<!tpu.dma_semaphore, #tpu.memory_space<semaphore_mem>>) src(%dma_wait3A_63 : memref<128x128xf32, #tpu.memory_space<hbm>>) dst(%arg11 : memref<128x128xf32, #tpu.memory_space<vmem>>)
      %add3A_64 = arith.constant 2 : i32
      %add3A_65 = arith.addi %mul3A_39, %add3A_64 : i32
      %lt3A = arith.constant 80 : i32
      %lt3A_66 = arith.cmpi slt, %add3A_65, %lt3A : i32
      %convert_element_type3A_67 = arith.extui %lt3A_66 : i1 to i32
      %cond3A_68 = arith.constant 0 : i32
      %cond3A_69 = arith.cmpi ne, %convert_element_type3A_67, %cond3A_68 : i32
      scf.if %cond3A_69 {
        %add3A_72 = arith.addi %mul3A_2, %mul3A_39 : i32
        %add3A_73 = arith.constant 2 : i32
        %add3A_74 = arith.addi %add3A_72, %add3A_73 : i32
        %mul3A_75 = arith.constant 128 : i32
        %mul3A_76 = arith.muli %add3A_74, %mul3A_75 : i32
        %dma_start3A_77 = arith.constant 0 : i32
        %dma_start3A_78 = tpu.memref_slice %arg8[%mul3A_76, %dma_start3A_77] : memref<327680x128xf32, #tpu.memory_space<hbm>> -> memref<128x128xf32, #tpu.memory_space<hbm>>
        %dma_start3A_79 = arith.constant 0 : i32
        %dma_start3A_80 = tpu.memref_slice %arg8[%mul3A_76, %dma_start3A_79] : memref<327680x128xf32, #tpu.memory_space<hbm>> -> memref<128x128xf32, #tpu.memory_space<hbm>>
        tpu.enqueue_dma source(%dma_start3A_80 : memref<128x128xf32, #tpu.memory_space<hbm>>) target(%arg10 : memref<128x128xf32, #tpu.memory_space<vmem>>) target_semaphore(%arg13 : memref<!tpu.dma_semaphore, #tpu.memory_space<semaphore_mem>>)
      } else {
      }
      %add3A_70 = arith.constant 1 : i32
      %add3A_71 = arith.addi %mul3A_39, %add3A_70 : i32
      "tpu.region"() ({
        %run_scoped3A_72 = tpu.sem_alloc : memref<!tpu.dma_semaphore, #tpu.memory_space<semaphore_mem>>
        %dma_start3A_73 = arith.constant 0 : i32
        %dma_start3A_74 = tpu.memref_slice %arg9[%add3A_71, %dma_start3A_73] : memref<80x128xi32, #tpu.memory_space<vmem>> -> memref<1x128xi32, #tpu.memory_space<vmem>>
        %dma_start3A_75 = tpu.memref_squeeze %dma_start3A_74 : memref<1x128xi32, #tpu.memory_space<vmem>> -> memref<128xi32, #tpu.memory_space<vmem>>
        %dma_start3A_76 = arith.constant 0 : i32
        %dma_start3A_77 = arith.constant 0 : i32
        %dma_start3A_78 = tpu.memref_slice %arg12[%dma_start3A_76, %dma_start3A_77] : memref<10240x128xf32, #tpu.memory_space<vmem_shared>> -> memref<10240x128xf32, #tpu.memory_space<vmem_shared>>
        tpu.enqueue_indirect_dma source(%arg11 : memref<128x128xf32, #tpu.memory_space<vmem>>) target(%dma_start3A_78 : memref<10240x128xf32, #tpu.memory_space<vmem_shared>>) offsets(%dma_start3A_75 : memref<128xi32, #tpu.memory_space<vmem>>) semaphore(%run_scoped3A_72 : memref<!tpu.dma_semaphore, #tpu.memory_space<semaphore_mem>>) {add = true}
        %dma_wait3A_79 = arith.constant 0 : i32
        %dma_wait3A_80 = tpu.memref_slice %arg9[%add3A_71, %dma_wait3A_79] : memref<80x128xi32, #tpu.memory_space<vmem>> -> memref<1x128xi32, #tpu.memory_space<vmem>>
        %dma_wait3A_81 = tpu.memref_squeeze %dma_wait3A_80 : memref<1x128xi32, #tpu.memory_space<vmem>> -> memref<128xi32, #tpu.memory_space<vmem>>
        %dma_wait3A_82 = arith.constant 0 : i32
        %dma_wait3A_83 = arith.constant 0 : i32
        %dma_wait3A_84 = tpu.memref_slice %arg12[%dma_wait3A_82, %dma_wait3A_83] : memref<10240x128xf32, #tpu.memory_space<vmem_shared>> -> memref<10240x128xf32, #tpu.memory_space<vmem_shared>>
        tpu.wait_indirect_dma semaphore(%run_scoped3A_72 : memref<!tpu.dma_semaphore, #tpu.memory_space<semaphore_mem>>) src(%arg11 : memref<128x128xf32, #tpu.memory_space<vmem>>) dst(%dma_wait3A_84 : memref<10240x128xf32, #tpu.memory_space<vmem_shared>>)
        tpu.yield
      }) : () -> ()
    }
    %scan3A_24 = arith.constant 40 : i32
    %barrier3A_25 = arith.constant 0 : index
    tpu.barrier barrier_id(%barrier3A_25)
    %eq3A = arith.constant 0 : i32
    %eq3A_26 = arith.cmpi eq, %arg0, %eq3A : i32
    %convert_element_type3A = arith.extui %eq3A_26 : i1 to i32
    %cond3A = arith.constant 0 : i32
    %cond3A_27 = arith.cmpi ne, %convert_element_type3A, %cond3A : i32
    scf.if %cond3A_27 {
      %mul3A_33 = arith.constant 640 : i32
      %mul3A_34 = arith.muli %arg1, %mul3A_33 : i32
      %mul3A_35 = arith.constant 640 : i32
      %mul3A_36 = arith.muli %arg1, %mul3A_35 : i32
      "tpu.region"() ({
        %run_scoped3A_37 = tpu.sem_alloc : memref<!tpu.dma_semaphore, #tpu.memory_space<semaphore_mem>>
        %dma_start3A_38 = arith.constant 0 : i32
        %dma_start3A_39 = tpu.memref_slice %arg6[%mul3A_36, %dma_start3A_38] : memref<10240x128xf32, #tpu.memory_space<hbm>> -> memref<640x128xf32, #tpu.memory_space<hbm>>
        %dma_start3A_40 = arith.constant 0 : i32
        %dma_start3A_41 = tpu.memref_slice %arg12[%mul3A_34, %dma_start3A_40] : memref<10240x128xf32, #tpu.memory_space<vmem_shared>> -> memref<640x128xf32, #tpu.memory_space<vmem_shared>>
        tpu.enqueue_dma source(%dma_start3A_41 : memref<640x128xf32, #tpu.memory_space<vmem_shared>>) target(%dma_start3A_39 : memref<640x128xf32, #tpu.memory_space<hbm>>) target_semaphore(%run_scoped3A_37 : memref<!tpu.dma_semaphore, #tpu.memory_space<semaphore_mem>>)
        %dma_wait3A = arith.constant 0 : i32
        %dma_wait3A_42 = tpu.memref_slice %arg6[%mul3A_36, %dma_wait3A] : memref<10240x128xf32, #tpu.memory_space<hbm>> -> memref<640x128xf32, #tpu.memory_space<hbm>>
        %dma_wait3A_43 = arith.constant 0 : i32
        %dma_wait3A_44 = tpu.memref_slice %arg12[%mul3A_34, %dma_wait3A_43] : memref<10240x128xf32, #tpu.memory_space<vmem_shared>> -> memref<640x128xf32, #tpu.memory_space<vmem_shared>>
        tpu.wait_dma2 semaphore(%run_scoped3A_37 : memref<!tpu.dma_semaphore, #tpu.memory_space<semaphore_mem>>) src(%dma_wait3A_44 : memref<640x128xf32, #tpu.memory_space<vmem_shared>>) dst(%dma_wait3A_42 : memref<640x128xf32, #tpu.memory_space<hbm>>)
        tpu.yield
      }) : () -> ()
    } else {
    }
    %eq3A_28 = arith.constant 1 : i32
    %eq3A_29 = arith.cmpi eq, %arg0, %eq3A_28 : i32
    %convert_element_type3A_30 = arith.extui %eq3A_29 : i1 to i32
    %cond3A_31 = arith.constant 0 : i32
    %cond3A_32 = arith.cmpi ne, %convert_element_type3A_30, %cond3A_31 : i32
    scf.if %cond3A_32 {
      %mul3A_33 = arith.constant 640 : i32
      %mul3A_34 = arith.muli %arg1, %mul3A_33 : i32
      %mul3A_35 = arith.constant 640 : i32
      %mul3A_36 = arith.muli %arg1, %mul3A_35 : i32
      "tpu.region"() ({
        %run_scoped3A_37 = tpu.sem_alloc : memref<!tpu.dma_semaphore, #tpu.memory_space<semaphore_mem>>
        %dma_start3A_38 = arith.constant 0 : i32
        %dma_start3A_39 = tpu.memref_slice %arg7[%mul3A_36, %dma_start3A_38] : memref<10240x128xf32, #tpu.memory_space<hbm>> -> memref<640x128xf32, #tpu.memory_space<hbm>>
        %dma_start3A_40 = arith.constant 0 : i32
        %dma_start3A_41 = tpu.memref_slice %arg12[%mul3A_34, %dma_start3A_40] : memref<10240x128xf32, #tpu.memory_space<vmem_shared>> -> memref<640x128xf32, #tpu.memory_space<vmem_shared>>
        tpu.enqueue_dma source(%dma_start3A_41 : memref<640x128xf32, #tpu.memory_space<vmem_shared>>) target(%dma_start3A_39 : memref<640x128xf32, #tpu.memory_space<hbm>>) target_semaphore(%run_scoped3A_37 : memref<!tpu.dma_semaphore, #tpu.memory_space<semaphore_mem>>)
        %dma_wait3A = arith.constant 0 : i32
        %dma_wait3A_42 = tpu.memref_slice %arg7[%mul3A_36, %dma_wait3A] : memref<10240x128xf32, #tpu.memory_space<hbm>> -> memref<640x128xf32, #tpu.memory_space<hbm>>
        %dma_wait3A_43 = arith.constant 0 : i32
        %dma_wait3A_44 = tpu.memref_slice %arg12[%mul3A_34, %dma_wait3A_43] : memref<10240x128xf32, #tpu.memory_space<vmem_shared>> -> memref<640x128xf32, #tpu.memory_space<vmem_shared>>
        tpu.wait_dma2 semaphore(%run_scoped3A_37 : memref<!tpu.dma_semaphore, #tpu.memory_space<semaphore_mem>>) src(%dma_wait3A_44 : memref<640x128xf32, #tpu.memory_space<vmem_shared>>) dst(%dma_wait3A_42 : memref<640x128xf32, #tpu.memory_space<hbm>>)
        tpu.yield
      }) : () -> ()
    } else {
    }
    return
  }
}

module attributes {stable_mosaic.version = 14 : i64} {
  func.func @_rownorm_kernel(%arg0: i32, %arg1: memref<2000x128xf32, #tpu.memory_space<vmem>>, %arg2: memref<2000x128xf32, #tpu.memory_space<vmem>>) attributes {dimension_semantics = [#tpu.dimension_semantics<arbitrary>], iteration_bounds = array<i64: 5>, scalar_prefetch = 0 : i64, scratch_operands = 0 : i64, tpu.core_type = #tpu.core_type<tc>, window_params = [{transform_indices = @transform_0, window_bounds = array<i64: 2000, 128>}, {transform_indices = @transform_1, window_bounds = array<i64: 2000, 128>}]} {
    %get3A = arith.constant 0 : index
    %get3A_0 = arith.constant 0 : index
    %get3A_1 = vector.load %arg1[%get3A, %get3A_0] : memref<2000x128xf32, #tpu.memory_space<vmem>>, vector<2000x128xf32>
    %mul3A = arith.mulf %get3A_1, %get3A_1 : vector<2000x128xf32>
    %reduce_sum3A = arith.constant dense<0.000000e+00> : vector<2000xf32>
    %reduce_sum3A_2 = vector.multi_reduction <add>, %mul3A, %reduce_sum3A [1] : vector<2000x128xf32> to vector<2000xf32>
    %broadcast_in_dim3A = vector.shape_cast %reduce_sum3A_2 : vector<2000xf32> to vector<2000x1xf32>
    %sqrt3A = math.sqrt %broadcast_in_dim3A : vector<2000x1xf32>
    %max3A = arith.constant 9.99999996E-13 : f32
    %max3A_3 = vector.broadcast %max3A : f32 to vector<2000x1xf32>
    %max3A_4 = arith.maximumf %sqrt3A, %max3A_3 : vector<2000x1xf32>
    %div3A = vector.broadcast %max3A_4 : vector<2000x1xf32> to vector<2000x128xf32>
    %div3A_5 = arith.divf %get3A_1, %div3A : vector<2000x128xf32>
    %swap3A = arith.constant 0 : index
    %swap3A_6 = arith.constant 0 : index
    %swap3A_7 = vector.load %arg2[%swap3A, %swap3A_6] : memref<2000x128xf32, #tpu.memory_space<vmem>>, vector<2000x128xf32>
    tpu.vector_store %arg2[%swap3A, %swap3A_6], %div3A_5 {strides = array<i32>} : memref<2000x128xf32, #tpu.memory_space<vmem>>, vector<2000x128xf32>,
    return
  }
  func.func @transform_0(%arg0: i32) -> (i32, i32) {
    %c0_i32 = arith.constant 0 : i32
    %c0_i32_0 = arith.constant 0 : i32
    return %arg0, %c0_i32 : i32, i32
  }
  func.func @transform_1(%arg0: i32) -> (i32, i32) {
    %c0_i32 = arith.constant 0 : i32
    %c0_i32_0 = arith.constant 0 : i32
    return %arg0, %c0_i32 : i32, i32
  }
}

module attributes {stable_mosaic.version = 14 : i64} {
  func.func @_layer_mid_kernel(%arg0: i32, %arg1: memref<2000x128xf32, #tpu.memory_space<vmem>>, %arg2: memref<2000x128xf32, #tpu.memory_space<vmem>>, %arg3: memref<2000x128xf32, #tpu.memory_space<vmem>>, %arg4: memref<2000x128xf32, #tpu.memory_space<vmem>>, %arg5: memref<128x128xf32, #tpu.memory_space<vmem>>, %arg6: memref<1x128xf32, #tpu.memory_space<vmem>>, %arg7: memref<128x128xf32, #tpu.memory_space<vmem>>, %arg8: memref<1x1xf32, #tpu.memory_space<vmem>>, %arg9: memref<2000x128xf32, #tpu.memory_space<vmem>>, %arg10: memref<2000x128xf32, #tpu.memory_space<vmem>>) attributes {dimension_semantics = [#tpu.dimension_semantics<arbitrary>], iteration_bounds = array<i64: 5>, scalar_prefetch = 0 : i64, scratch_operands = 0 : i64, tpu.core_type = #tpu.core_type<tc>, window_params = [{transform_indices = @transform_0, window_bounds = array<i64: 2000, 128>}, {transform_indices = @transform_1, window_bounds = array<i64: 2000, 128>}, {transform_indices = @transform_2, window_bounds = array<i64: 2000, 128>}, {transform_indices = @transform_3, window_bounds = array<i64: 2000, 128>}, {pipeline_mode = #tpu.pipeline_mode<synchronous>, transform_indices = @transform_4, window_bounds = array<i64: 128, 128>}, {pipeline_mode = #tpu.pipeline_mode<synchronous>, transform_indices = @transform_5, window_bounds = array<i64: 1, 128>}, {pipeline_mode = #tpu.pipeline_mode<synchronous>, transform_indices = @transform_6, window_bounds = array<i64: 128, 128>}, {pipeline_mode = #tpu.pipeline_mode<synchronous>, transform_indices = @transform_7, window_bounds = array<i64: 1, 1>}, {transform_indices = @transform_8, window_bounds = array<i64: 2000, 128>}, {transform_indices = @transform_9, window_bounds = array<i64: 2000, 128>}]} {
    %get3A = arith.constant 0 : index
    %get3A_0 = arith.constant 0 : index
    %get3A_1 = vector.load %arg1[%get3A, %get3A_0] : memref<2000x128xf32, #tpu.memory_space<vmem>>, vector<2000x128xf32>
    %get3A_2 = arith.constant 0 : index
    %get3A_3 = arith.constant 0 : index
    %get3A_4 = vector.load %arg4[%get3A_2, %get3A_3] : memref<2000x128xf32, #tpu.memory_space<vmem>>, vector<2000x128xf32>
    %get3A_5 = arith.constant 0 : index
    %get3A_6 = arith.constant 0 : index
    %get3A_7 = vector.load %arg2[%get3A_5, %get3A_6] : memref<2000x128xf32, #tpu.memory_space<vmem>>, vector<2000x128xf32>
    %add3A = arith.addf %get3A_1, %get3A_7 : vector<2000x128xf32>
    %get3A_8 = arith.constant 0 : index
    %get3A_9 = arith.constant 0 : index
    %get3A_10 = vector.load %arg3[%get3A_8, %get3A_9] : memref<2000x128xf32, #tpu.memory_space<vmem>>, vector<2000x128xf32>
    %add3A_11 = arith.addf %add3A, %get3A_10 : vector<2000x128xf32>
    %mul3A = arith.mulf %add3A_11, %add3A_11 : vector<2000x128xf32>
    %reduce_sum3A = arith.constant dense<0.000000e+00> : vector<2000xf32>
    %reduce_sum3A_12 = vector.multi_reduction <add>, %mul3A, %reduce_sum3A [1] : vector<2000x128xf32> to vector<2000xf32>
    %broadcast_in_dim3A = vector.shape_cast %reduce_sum3A_12 : vector<2000xf32> to vector<2000x1xf32>
    %sqrt3A = math.sqrt %broadcast_in_dim3A : vector<2000x1xf32>
    %max3A = arith.constant 9.99999996E-13 : f32
    %max3A_13 = vector.broadcast %max3A : f32 to vector<2000x1xf32>
    %max3A_14 = arith.maximumf %sqrt3A, %max3A_13 : vector<2000x1xf32>
    %div3A = vector.broadcast %max3A_14 : vector<2000x1xf32> to vector<2000x128xf32>
    %div3A_15 = arith.divf %add3A_11, %div3A : vector<2000x128xf32>
    %mul3A_16 = arith.mulf %get3A_4, %get3A_4 : vector<2000x128xf32>
    %reduce_sum3A_17 = arith.constant dense<0.000000e+00> : vector<2000xf32>
    %reduce_sum3A_18 = vector.multi_reduction <add>, %mul3A_16, %reduce_sum3A_17 [1] : vector<2000x128xf32> to vector<2000xf32>
    %broadcast_in_dim3A_19 = vector.shape_cast %reduce_sum3A_18 : vector<2000xf32> to vector<2000x1xf32>
    %sqrt3A_20 = math.sqrt %broadcast_in_dim3A_19 : vector<2000x1xf32>
    %mul3A_21 = vector.broadcast %sqrt3A_20 : vector<2000x1xf32> to vector<2000x128xf32>
    %mul3A_22 = arith.mulf %div3A_15, %mul3A_21 : vector<2000x128xf32>
    %get3A_23 = arith.constant 0 : index
    %get3A_24 = arith.constant 0 : index
    %get3A_25 = vector.load %arg8[%get3A_23, %get3A_24] : memref<1x1xf32, #tpu.memory_space<vmem>>, vector<1x1xf32>
    %get3A_26 = vector.extract %get3A_25[0, 0] : f32 from vector<1x1xf32>
    %mul3A_27 = vector.broadcast %get3A_26 : f32 to vector<2000x128xf32>
    %mul3A_28 = arith.mulf %mul3A_22, %mul3A_27 : vector<2000x128xf32>
    %get3A_29 = arith.constant 0 : index
    %get3A_30 = arith.constant 0 : index
    %get3A_31 = vector.load %arg5[%get3A_29, %get3A_30] : memref<128x128xf32, #tpu.memory_space<vmem>>, vector<128x128xf32>
    %dot_general3A = arith.constant dense<0.000000e+00> : vector<2000x128xf32>
    %dot_general3A_32 = tpu.matmul %mul3A_28, %get3A_31, %dot_general3A {dimension_numbers = #tpu.dot_dimension_numbers<[1], [1], [0], [0], [0, 0, 1, 0], [], []>, precision = #tpu.contract_precision<fp32>, transpose_lhs_hint = false} : vector<2000x128xf32>, vector<128x128xf32>, vector<2000x128xf32> -> vector<2000x128xf32>
    %get3A_33 = arith.constant 0 : index
    %get3A_34 = arith.constant 0 : index
    %get3A_35 = vector.load %arg6[%get3A_33, %get3A_34] : memref<1x128xf32, #tpu.memory_space<vmem>>, vector<1x128xf32>
    %add3A_36 = vector.broadcast %get3A_35 : vector<1x128xf32> to vector<2000x128xf32>
    %add3A_37 = arith.addf %dot_general3A_32, %add3A_36 : vector<2000x128xf32>
    %get3A_38 = arith.constant 0 : index
    %get3A_39 = arith.constant 0 : index
    %get3A_40 = vector.load %arg7[%get3A_38, %get3A_39] : memref<128x128xf32, #tpu.memory_space<vmem>>, vector<128x128xf32>
    %dot_general3A_41 = arith.constant dense<0.000000e+00> : vector<2000x128xf32>
    %dot_general3A_42 = tpu.matmul %get3A_4, %get3A_40, %dot_general3A_41 {dimension_numbers = #tpu.dot_dimension_numbers<[1], [1], [0], [0], [0, 0, 1, 0], [], []>, precision = #tpu.contract_precision<fp32>, transpose_lhs_hint = false} : vector<2000x128xf32>, vector<128x128xf32>, vector<2000x128xf32> -> vector<2000x128xf32>
    %add3A_43 = arith.addf %add3A_37, %dot_general3A_42 : vector<2000x128xf32>
    %mul3A_44 = arith.mulf %add3A_43, %add3A_43 : vector<2000x128xf32>
    %reduce_sum3A_45 = arith.constant dense<0.000000e+00> : vector<2000xf32>
    %reduce_sum3A_46 = vector.multi_reduction <add>, %mul3A_44, %reduce_sum3A_45 [1] : vector<2000x128xf32> to vector<2000xf32>
    %broadcast_in_dim3A_47 = vector.shape_cast %reduce_sum3A_46 : vector<2000xf32> to vector<2000x1xf32>
    %sqrt3A_48 = math.sqrt %broadcast_in_dim3A_47 : vector<2000x1xf32>
    %max3A_49 = arith.constant 9.99999996E-13 : f32
    %max3A_50 = vector.broadcast %max3A_49 : f32 to vector<2000x1xf32>
    %max3A_51 = arith.maximumf %sqrt3A_48, %max3A_50 : vector<2000x1xf32>
    %div3A_52 = vector.broadcast %max3A_51 : vector<2000x1xf32> to vector<2000x128xf32>
    %div3A_53 = arith.divf %add3A_43, %div3A_52 : vector<2000x128xf32>
    %max3A_54 = arith.constant 0.000000e+00 : f32
    %max3A_55 = vector.broadcast %max3A_54 : f32 to vector<2000x128xf32>
    %max3A_56 = arith.maximumf %div3A_53, %max3A_55 : vector<2000x128xf32>
    %swap3A = arith.constant 0 : index
    %swap3A_57 = arith.constant 0 : index
    %swap3A_58 = vector.load %arg9[%swap3A, %swap3A_57] : memref<2000x128xf32, #tpu.memory_space<vmem>>, vector<2000x128xf32>
    tpu.vector_store %arg9[%swap3A, %swap3A_57], %max3A_56 {strides = array<i32>} : memref<2000x128xf32, #tpu.memory_space<vmem>>, vector<2000x128xf32>,
    %mul3A_59 = arith.mulf %max3A_56, %max3A_56 : vector<2000x128xf32>
    %reduce_sum3A_60 = arith.constant dense<0.000000e+00> : vector<2000xf32>
    %reduce_sum3A_61 = vector.multi_reduction <add>, %mul3A_59, %reduce_sum3A_60 [1] : vector<2000x128xf32> to vector<2000xf32>
    %broadcast_in_dim3A_62 = vector.shape_cast %reduce_sum3A_61 : vector<2000xf32> to vector<2000x1xf32>
    %sqrt3A_63 = math.sqrt %broadcast_in_dim3A_62 : vector<2000x1xf32>
    %max3A_64 = arith.constant 9.99999996E-13 : f32
    %max3A_65 = vector.broadcast %max3A_64 : f32 to vector<2000x1xf32>
    %max3A_66 = arith.maximumf %sqrt3A_63, %max3A_65 : vector<2000x1xf32>
    %div3A_67 = vector.broadcast %max3A_66 : vector<2000x1xf32> to vector<2000x128xf32>
    %div3A_68 = arith.divf %max3A_56, %div3A_67 : vector<2000x128xf32>
    %swap3A_69 = arith.constant 0 : index
    %swap3A_70 = arith.constant 0 : index
    %swap3A_71 = vector.load %arg10[%swap3A_69, %swap3A_70] : memref<2000x128xf32, #tpu.memory_space<vmem>>, vector<2000x128xf32>
    tpu.vector_store %arg10[%swap3A_69, %swap3A_70], %div3A_68 {strides = array<i32>} : memref<2000x128xf32, #tpu.memory_space<vmem>>, vector<2000x128xf32>,
    return
  }
  func.func @transform_0(%arg0: i32) -> (i32, i32) {
    %c0_i32 = arith.constant 0 : i32
    %c0_i32_0 = arith.constant 0 : i32
    return %arg0, %c0_i32 : i32, i32
  }
  func.func @transform_1(%arg0: i32) -> (i32, i32) {
    %c0_i32 = arith.constant 0 : i32
    %c0_i32_0 = arith.constant 0 : i32
    return %arg0, %c0_i32 : i32, i32
  }
  func.func @transform_2(%arg0: i32) -> (i32, i32) {
    %c0_i32 = arith.constant 0 : i32
    %c0_i32_0 = arith.constant 0 : i32
    return %arg0, %c0_i32 : i32, i32
  }
  func.func @transform_3(%arg0: i32) -> (i32, i32) {
    %c0_i32 = arith.constant 0 : i32
    %c0_i32_0 = arith.constant 0 : i32
    return %arg0, %c0_i32 : i32, i32
  }
  func.func @transform_4(%arg0: i32) -> (i32, i32) {
    %c0_i32 = arith.constant 0 : i32
    %c0_i32_0 = arith.constant 0 : i32
    %c0_i32_1 = arith.constant 0 : i32
    return %c0_i32, %c0_i32_0 : i32, i32
  }
  func.func @transform_5(%arg0: i32) -> (i32, i32) {
    %c0_i32 = arith.constant 0 : i32
    %c0_i32_0 = arith.constant 0 : i32
    %c0_i32_1 = arith.constant 0 : i32
    return %c0_i32, %c0_i32_0 : i32, i32
  }
  func.func @transform_6(%arg0: i32) -> (i32, i32) {
    %c0_i32 = arith.constant 0 : i32
    %c0_i32_0 = arith.constant 0 : i32
    %c0_i32_1 = arith.constant 0 : i32
    return %c0_i32, %c0_i32_0 : i32, i32
  }
  func.func @transform_7(%arg0: i32) -> (i32, i32) {
    %c0_i32 = arith.constant 0 : i32
    %c0_i32_0 = arith.constant 0 : i32
    %c0_i32_1 = arith.constant 0 : i32
    return %c0_i32, %c0_i32_0 : i32, i32
  }
  func.func @transform_8(%arg0: i32) -> (i32, i32) {
    %c0_i32 = arith.constant 0 : i32
    %c0_i32_0 = arith.constant 0 : i32
    return %arg0, %c0_i32 : i32, i32
  }
  func.func @transform_9(%arg0: i32) -> (i32, i32) {
    %c0_i32 = arith.constant 0 : i32
    %c0_i32_0 = arith.constant 0 : i32
    return %arg0, %c0_i32 : i32, i32
  }
}

module attributes {stable_mosaic.version = 14 : i64} {
  func.func @_layer_final_kernel(%arg0: i32, %arg1: memref<2000x128xf32, #tpu.memory_space<vmem>>, %arg2: memref<2000x128xf32, #tpu.memory_space<vmem>>, %arg3: memref<2000x128xf32, #tpu.memory_space<vmem>>, %arg4: memref<2000x128xf32, #tpu.memory_space<vmem>>, %arg5: memref<40x128xf32, #tpu.memory_space<vmem>>, %arg6: memref<1x40xf32, #tpu.memory_space<vmem>>, %arg7: memref<40x128xf32, #tpu.memory_space<vmem>>, %arg8: memref<1x1xf32, #tpu.memory_space<vmem>>, %arg9: memref<2000x40xf32, #tpu.memory_space<vmem>>) attributes {dimension_semantics = [#tpu.dimension_semantics<arbitrary>], iteration_bounds = array<i64: 5>, scalar_prefetch = 0 : i64, scratch_operands = 0 : i64, tpu.core_type = #tpu.core_type<tc>, window_params = [{transform_indices = @transform_0, window_bounds = array<i64: 2000, 128>}, {transform_indices = @transform_1, window_bounds = array<i64: 2000, 128>}, {transform_indices = @transform_2, window_bounds = array<i64: 2000, 128>}, {transform_indices = @transform_3, window_bounds = array<i64: 2000, 128>}, {pipeline_mode = #tpu.pipeline_mode<synchronous>, transform_indices = @transform_4, window_bounds = array<i64: 40, 128>}, {pipeline_mode = #tpu.pipeline_mode<synchronous>, transform_indices = @transform_5, window_bounds = array<i64: 1, 40>}, {pipeline_mode = #tpu.pipeline_mode<synchronous>, transform_indices = @transform_6, window_bounds = array<i64: 40, 128>}, {pipeline_mode = #tpu.pipeline_mode<synchronous>, transform_indices = @transform_7, window_bounds = array<i64: 1, 1>}, {transform_indices = @transform_8, window_bounds = array<i64: 2000, 40>}]} {
    %get3A = arith.constant 0 : index
    %get3A_0 = arith.constant 0 : index
    %get3A_1 = vector.load %arg1[%get3A, %get3A_0] : memref<2000x128xf32, #tpu.memory_space<vmem>>, vector<2000x128xf32>
    %get3A_2 = arith.constant 0 : index
    %get3A_3 = arith.constant 0 : index
    %get3A_4 = vector.load %arg4[%get3A_2, %get3A_3] : memref<2000x128xf32, #tpu.memory_space<vmem>>, vector<2000x128xf32>
    %get3A_5 = arith.constant 0 : index
    %get3A_6 = arith.constant 0 : index
    %get3A_7 = vector.load %arg2[%get3A_5, %get3A_6] : memref<2000x128xf32, #tpu.memory_space<vmem>>, vector<2000x128xf32>
    %add3A = arith.addf %get3A_1, %get3A_7 : vector<2000x128xf32>
    %get3A_8 = arith.constant 0 : index
    %get3A_9 = arith.constant 0 : index
    %get3A_10 = vector.load %arg3[%get3A_8, %get3A_9] : memref<2000x128xf32, #tpu.memory_space<vmem>>, vector<2000x128xf32>
    %add3A_11 = arith.addf %add3A, %get3A_10 : vector<2000x128xf32>
    %mul3A = arith.mulf %add3A_11, %add3A_11 : vector<2000x128xf32>
    %reduce_sum3A = arith.constant dense<0.000000e+00> : vector<2000xf32>
    %reduce_sum3A_12 = vector.multi_reduction <add>, %mul3A, %reduce_sum3A [1] : vector<2000x128xf32> to vector<2000xf32>
    %broadcast_in_dim3A = vector.shape_cast %reduce_sum3A_12 : vector<2000xf32> to vector<2000x1xf32>
    %sqrt3A = math.sqrt %broadcast_in_dim3A : vector<2000x1xf32>
    %max3A = arith.constant 9.99999996E-13 : f32
    %max3A_13 = vector.broadcast %max3A : f32 to vector<2000x1xf32>
    %max3A_14 = arith.maximumf %sqrt3A, %max3A_13 : vector<2000x1xf32>
    %div3A = vector.broadcast %max3A_14 : vector<2000x1xf32> to vector<2000x128xf32>
    %div3A_15 = arith.divf %add3A_11, %div3A : vector<2000x128xf32>
    %mul3A_16 = arith.mulf %get3A_4, %get3A_4 : vector<2000x128xf32>
    %reduce_sum3A_17 = arith.constant dense<0.000000e+00> : vector<2000xf32>
    %reduce_sum3A_18 = vector.multi_reduction <add>, %mul3A_16, %reduce_sum3A_17 [1] : vector<2000x128xf32> to vector<2000xf32>
    %broadcast_in_dim3A_19 = vector.shape_cast %reduce_sum3A_18 : vector<2000xf32> to vector<2000x1xf32>
    %sqrt3A_20 = math.sqrt %broadcast_in_dim3A_19 : vector<2000x1xf32>
    %mul3A_21 = vector.broadcast %sqrt3A_20 : vector<2000x1xf32> to vector<2000x128xf32>
    %mul3A_22 = arith.mulf %div3A_15, %mul3A_21 : vector<2000x128xf32>
    %get3A_23 = arith.constant 0 : index
    %get3A_24 = arith.constant 0 : index
    %get3A_25 = vector.load %arg8[%get3A_23, %get3A_24] : memref<1x1xf32, #tpu.memory_space<vmem>>, vector<1x1xf32>
    %get3A_26 = vector.extract %get3A_25[0, 0] : f32 from vector<1x1xf32>
    %mul3A_27 = vector.broadcast %get3A_26 : f32 to vector<2000x128xf32>
    %mul3A_28 = arith.mulf %mul3A_22, %mul3A_27 : vector<2000x128xf32>
    %get3A_29 = arith.constant 0 : index
    %get3A_30 = arith.constant 0 : index
    %get3A_31 = vector.load %arg5[%get3A_29, %get3A_30] : memref<40x128xf32, #tpu.memory_space<vmem>>, vector<40x128xf32>
    %dot_general3A = arith.constant dense<0.000000e+00> : vector<2000x40xf32>
    %dot_general3A_32 = tpu.matmul %mul3A_28, %get3A_31, %dot_general3A {dimension_numbers = #tpu.dot_dimension_numbers<[1], [1], [0], [0], [0, 0, 1, 0], [], []>, precision = #tpu.contract_precision<fp32>, transpose_lhs_hint = false} : vector<2000x128xf32>, vector<40x128xf32>, vector<2000x40xf32> -> vector<2000x40xf32>
    %get3A_33 = arith.constant 0 : index
    %get3A_34 = arith.constant 0 : index
    %get3A_35 = vector.load %arg6[%get3A_33, %get3A_34] : memref<1x40xf32, #tpu.memory_space<vmem>>, vector<1x40xf32>
    %add3A_36 = vector.broadcast %get3A_35 : vector<1x40xf32> to vector<2000x40xf32>
    %add3A_37 = arith.addf %dot_general3A_32, %add3A_36 : vector<2000x40xf32>
    %get3A_38 = arith.constant 0 : index
    %get3A_39 = arith.constant 0 : index
    %get3A_40 = vector.load %arg7[%get3A_38, %get3A_39] : memref<40x128xf32, #tpu.memory_space<vmem>>, vector<40x128xf32>
    %dot_general3A_41 = arith.constant dense<0.000000e+00> : vector<2000x40xf32>
    %dot_general3A_42 = tpu.matmul %get3A_4, %get3A_40, %dot_general3A_41 {dimension_numbers = #tpu.dot_dimension_numbers<[1], [1], [0], [0], [0, 0, 1, 0], [], []>, precision = #tpu.contract_precision<fp32>, transpose_lhs_hint = false} : vector<2000x128xf32>, vector<40x128xf32>, vector<2000x40xf32> -> vector<2000x40xf32>
    %add3A_43 = arith.addf %add3A_37, %dot_general3A_42 : vector<2000x40xf32>
    %mul3A_44 = arith.mulf %add3A_43, %add3A_43 : vector<2000x40xf32>
    %reduce_sum3A_45 = arith.constant dense<0.000000e+00> : vector<2000xf32>
    %reduce_sum3A_46 = vector.multi_reduction <add>, %mul3A_44, %reduce_sum3A_45 [1] : vector<2000x40xf32> to vector<2000xf32>
    %broadcast_in_dim3A_47 = vector.shape_cast %reduce_sum3A_46 : vector<2000xf32> to vector<2000x1xf32>
    %sqrt3A_48 = math.sqrt %broadcast_in_dim3A_47 : vector<2000x1xf32>
    %max3A_49 = arith.constant 9.99999996E-13 : f32
    %max3A_50 = vector.broadcast %max3A_49 : f32 to vector<2000x1xf32>
    %max3A_51 = arith.maximumf %sqrt3A_48, %max3A_50 : vector<2000x1xf32>
    %div3A_52 = vector.broadcast %max3A_51 : vector<2000x1xf32> to vector<2000x40xf32>
    %div3A_53 = arith.divf %add3A_43, %div3A_52 : vector<2000x40xf32>
    %swap3A = arith.constant 0 : index
    %swap3A_54 = arith.constant 0 : index
    %swap3A_55 = vector.load %arg9[%swap3A, %swap3A_54] : memref<2000x40xf32, #tpu.memory_space<vmem>>, vector<2000x40xf32>
    tpu.vector_store %arg9[%swap3A, %swap3A_54], %div3A_53 {strides = array<i32>} : memref<2000x40xf32, #tpu.memory_space<vmem>>, vector<2000x40xf32>,
    return
  }
  func.func @transform_0(%arg0: i32) -> (i32, i32) {
    %c0_i32 = arith.constant 0 : i32
    %c0_i32_0 = arith.constant 0 : i32
    return %arg0, %c0_i32 : i32, i32
  }
  func.func @transform_1(%arg0: i32) -> (i32, i32) {
    %c0_i32 = arith.constant 0 : i32
    %c0_i32_0 = arith.constant 0 : i32
    return %arg0, %c0_i32 : i32, i32
  }
  func.func @transform_2(%arg0: i32) -> (i32, i32) {
    %c0_i32 = arith.constant 0 : i32
    %c0_i32_0 = arith.constant 0 : i32
    return %arg0, %c0_i32 : i32, i32
  }
  func.func @transform_3(%arg0: i32) -> (i32, i32) {
    %c0_i32 = arith.constant 0 : i32
    %c0_i32_0 = arith.constant 0 : i32
    return %arg0, %c0_i32 : i32, i32
  }
  func.func @transform_4(%arg0: i32) -> (i32, i32) {
    %c0_i32 = arith.constant 0 : i32
    %c0_i32_0 = arith.constant 0 : i32
    %c0_i32_1 = arith.constant 0 : i32
    return %c0_i32, %c0_i32_0 : i32, i32
  }
  func.func @transform_5(%arg0: i32) -> (i32, i32) {
    %c0_i32 = arith.constant 0 : i32
    %c0_i32_0 = arith.constant 0 : i32
    %c0_i32_1 = arith.constant 0 : i32
    return %c0_i32, %c0_i32_0 : i32, i32
  }
  func.func @transform_6(%arg0: i32) -> (i32, i32) {
    %c0_i32 = arith.constant 0 : i32
    %c0_i32_0 = arith.constant 0 : i32
    %c0_i32_1 = arith.constant 0 : i32
    return %c0_i32, %c0_i32_0 : i32, i32
  }
  func.func @transform_7(%arg0: i32) -> (i32, i32) {
    %c0_i32 = arith.constant 0 : i32
    %c0_i32_0 = arith.constant 0 : i32
    %c0_i32_1 = arith.constant 0 : i32
    return %c0_i32, %c0_i32_0 : i32, i32
  }
  func.func @transform_8(%arg0: i32) -> (i32, i32) {
    %c0_i32 = arith.constant 0 : i32
    %c0_i32_0 = arith.constant 0 : i32
    return %arg0, %c0_i32 : i32, i32
  }
}

</mosaic_0001>

<sc_bundles>
// kernel: kernel.10.cloned.1.call-start
scs
__scs_entry_jumppad:
0x0: {  	(pc) =	sbr.rel $0x88, $3  }
0x1: {  	(tag) =	ssettag $0x0;
	lr =	simm.s32 $0x1  }
0x2: {  	[smem:$0x3F97] =	sst lr;
	_ =	strace $0xD0000000  }
0x3: {  	_ = 	snop  }
0x4: {  	_ = 	snop  }
0x5: {  	_ = 	snop  }
0x6: {  	_ = 	snop  }
0x7: {  	_ = 	snop  }
__scs_overlays_trampoline_lowered:
0x8: {  	[smem:$0x3FA6] =	sst s0  }
0x9: {  	[smem:$0x3FA7] =	sst s1  }
0xa: {  	[smem:$0x3FA8] =	sst s2  }
0xb: {  	[smem:$0x3FA9] =	sst s3  }
0xc: {  	[smem:$0x3FAA] =	sst s4  }
0xd: {  	[smem:$0x3FAB] =	sst s5  }
0xe: {  	[smem:$0x3FAC] =	sst s6  }
0xf: {  	[smem:$0x3FAD] =	sst s7  }
0x10: {  	[smem:$0x3FAE] =	sst s8  }
0x11: {  	[smem:$0x3FAF] =	sst s9;
	s0 =	simm.s32 @!p0 $0x0  }
0x12: {  	s1 =	sld [smem:$0x3F95];
	s0 =	simm.s32 @p0 $0x1  }
0x13: {  	[smem:$0x3FB0] =	sst s0;
	s0 =	simm.s32 @!p1 $0x0  }
0x14: {  	s2 =	sld [smem:$0x3F94];
	s0 =	simm.s32 @p1 $0x1  }
0x15: {  	[smem:$0x3FB1] =	sst s0;
	s0 =	simm.s32 @!p2 $0x0  }
0x16: {  	s3 =	sld [smem:$0x3FDB];
	s0 =	simm.s32 @p2 $0x1  }
0x17: {  	s4 =	simm.s32 $0x1BF5;
	[smem:$0x3FB3] =	sst s0  }
0x18: {  	s0 =	sld [smem:$0x3F96];
	_ =	swait.ge [sflag:s4], $0x0  }
0x19: {  	s7 =	sld [smem:$0x3F97]  }
0x1a: {  	s8 =	sadd.s32 $0xFFFFE003, lr  }
0x1b: {  	s9 =	sadd.s32 $0xFFFFFEF7, lr;
	s5 =	simm.s32 $0xFFFFFFFF;
	p2 =	slt.u32 s8, $0xFFFFF086  }
0x1c: {  	p1 =	slt.u32 s9, $0xF7A;
	s5 =	simm.s32 @!p2 $0x0  }
0x1d: {  	s5 =	simm.s32 @p1 $0x1;
	p0 =	seq.s32 s7, s2  }
0x1e: {  	s7 =	smul.u32 @!p0 $0xF7A, s2;
	p2 =	seq.s32 @!p0 s5, $0x0  }
0x1f: {  	s9 =	smul.u32 $0xF7A, s1;
	s8 =	simm.s32 @!p0 $0x1BF5;
	p2 =	por !p2, p0  }
0x20: {  	[sflag:s8] =	ssyncset.s32 @!p0 $0xFFFFF086;
	s6 =	sadd.s32 @!p0 s3, s7;
	s7 =	simm.s32 @!p0 $0x108  }
0x21: {  	s3 =	sadd.s32 s3, s9;
	s6 =	sadd.s32 @!p0 $0x88, s6;
	s7 =	simm.s32 @p2 $0x1082  }
0x22: {  	[simem:s7], [sflag:s8] =	dma.local @!p0 [hbm:s6], $0xF7A  }
0x23: {  	s9 =	sor.u32 $0xD0000000, s2;
	s6 =	simm.s32 $0x108;
	_ =	swait.ge @!p0 [sflag:s8], $0x0  }
0x24: {  	s3 =	sadd.s32 $0x88, s3;
	s6 =	simm.s32 @!p1 $0x1082;
	[sflag:s4] =	ssyncset.s32 $0xFFFFF086  }
0x25: {  	[simem:s6], [sflag:s4] =	dma.local [hbm:s3], $0xF7A  }
0x26: {  	[smem:$0x3F97] =	sst s1;
	(tag) =	ssettag s2;
	_ =	strace s9  }
0x27: {  	s1 =	sld [smem:$0x3FA7]  }
0x28: {  	s2 =	sld [smem:$0x3FA8]  }
0x29: {  	s4 =	sld [smem:$0x3FAA]  }
0x2a: {  	p0 =	seq.s32 s5, $0x0;
	s5 =	sld [smem:$0x3FAB]  }
0x2b: {  	s6 =	sld [smem:$0x3FAC]  }
0x2c: {  	s7 =	sld [smem:$0x3FAD]  }
0x2d: {  	s3 =	simm.s32 $0x108;
	s8 =	sld [smem:$0x3FAE]  }
0x2e: {  	s3 =	simm.s32 @!p0 $0x1082;
	s9 =	sld [smem:$0x3FAF]  }
0x2f: {  	lr =	sadd.s32 s0, s3;
	s0 =	sld [smem:$0x3FA6]  }
0x30: {  	s3 =	sld [smem:$0x3FA9]  }
0x31: {  	[smem:$0x3FB2] =	sst s10  }
0x32: {  	s10 =	sld [smem:$0x3FB0];
	_ =	sdelay $0x3  }
0x33: {  	p0 =	seq.s32 s10, $0x1;
	s10 =	sld [smem:$0x3FB2];
	_ =	sdelay $0x3  }
0x34: {  	[smem:$0x3FB2] =	sst s10  }
0x35: {  	s10 =	sld [smem:$0x3FB1];
	_ =	sdelay $0x3  }
0x36: {  	p1 =	seq.s32 s10, $0x1;
	s10 =	sld [smem:$0x3FB2];
	_ =	sdelay $0x3  }
0x37: {  	[smem:$0x3FB2] =	sst s10  }
0x38: {  	s10 =	sld [smem:$0x3FB3]  }
0x39: {  	_ = 	snop;
	(pc) =	sbr.ind lr, $3  }
0x3a: {  	_ = 	snop  }
0x3b: {  	_ = 	snop  }
0x3c: {  	p2 =	seq.s32 s10, $0x1;
	s10 =	sld [smem:$0x3FB2]  }
0x3d: {  	_ =	shalt  }
0x3e: {  	_ =	shalt  }
0x3f: {  	_ =	shalt  }
0x40: {  	_ =	shalt  }
0x41: {  	_ =	shalt  }
0x42: {  	_ =	shalt  }
0x43: {  	_ =	shalt  }
0x44: {  	_ =	shalt  }
0x45: {  	_ =	shalt  }
0x46: {  	_ =	shalt  }
0x47: {  	_ =	shalt  }
0x48: {  	_ =	shalt  }
0x49: {  	_ =	shalt  }
0x4a: {  	_ =	shalt  }
0x4b: {  	_ =	shalt  }
0x4c: {  	_ =	shalt  }
0x4d: {  	_ =	shalt  }
0x4e: {  	_ =	shalt  }
0x4f: {  	_ =	shalt  }
0x50: {  	_ =	shalt  }
0x51: {  	_ =	shalt  }
0x52: {  	_ =	shalt  }
0x53: {  	_ =	shalt  }
0x54: {  	_ =	shalt  }
0x55: {  	_ =	shalt  }
0x56: {  	_ =	shalt  }
0x57: {  	_ =	shalt  }
0x58: {  	_ =	shalt  }
0x59: {  	_ =	shalt  }
0x5a: {  	_ =	shalt  }
0x5b: {  	_ =	shalt  }
0x5c: {  	_ =	shalt  }
0x5d: {  	_ =	shalt  }
0x5e: {  	_ =	shalt  }
0x5f: {  	_ =	shalt  }
0x60: {  	_ =	shalt  }
0x61: {  	_ =	shalt  }
0x62: {  	_ =	shalt  }
0x63: {  	_ =	shalt  }
0x64: {  	_ =	shalt  }
0x65: {  	_ =	shalt  }
0x66: {  	_ =	shalt  }
0x67: {  	_ =	shalt  }
0x68: {  	_ =	shalt  }
0x69: {  	_ =	shalt  }
0x6a: {  	_ =	shalt  }
0x6b: {  	_ =	shalt  }
0x6c: {  	_ =	shalt  }
0x6d: {  	_ =	shalt  }
0x6e: {  	_ =	shalt  }
0x6f: {  	_ =	shalt  }
0x70: {  	_ =	shalt  }
0x71: {  	_ =	shalt  }
0x72: {  	_ =	shalt  }
0x73: {  	_ =	shalt  }
0x74: {  	_ =	shalt  }
0x75: {  	_ =	shalt  }
0x76: {  	_ =	shalt  }
0x77: {  	_ =	shalt  }
0x78: {  	_ =	shalt  }
0x79: {  	_ =	shalt  }
0x7a: {  	_ =	shalt  }
0x7b: {  	_ =	shalt  }
0x7c: {  	_ =	shalt  }
0x7d: {  	_ =	shalt  }
0x7e: {  	_ =	shalt  }
0x7f: {  	_ =	shalt  }
0x80: {  	_ =	shalt  }
0x81: {  	_ =	shalt  }
0x82: {  	_ =	shalt  }
0x83: {  	_ =	shalt  }
0x84: {  	_ =	shalt  }
0x85: {  	_ =	shalt  }
0x86: {  	_ =	shalt  }
0x87: {  	_ =	shalt  }
.Lfunc_end0:
.L_simem_size_0:
called_computation.1_lowered:
.L_overlay_start_0:
0x88: {  	s2 =	sld [smem:$0x3FD9]  }
0x89: {  	s3 =	sld [smem:$0x3FFE];
	_ =	sdelay $0x1  }
0x8a: {  	s1 =	srdreg.scid  }
0x8b: {  	s0 =	sand.u32 $0x1, s1  }
0x8c: {  	s17 =	sshll.u32 s0, $0xA;
	s2 =	sadd.s32 s3, s2  }
0x8d: {  	s2 =	sadd.s32 s2, s17  }
0x8e: {  	[smem:$0x3FBE] =	sst s2  }
0x8f: {  	_ = 	snop  }
0x90: {  	s2 =	sld [smem:$0x3FD0];
	(tm) =	ssettm $0x1  }
0x91: {  	s18 =	sld [smem:$0x3FFB];
	_ =	sdelay $0x3  }
0x92: {  	_ =	strace s18  }
0x93: {  	s3 =	sld [smem:$0x3FFC];
	_ =	sdelay $0x3  }
0x94: {  	_ =	strace s3  }
0x95: {  	s3 =	sld [smem:$0x3FFD];
	_ =	sdelay $0x3  }
0x96: {  	_ =	strace s3  }
0x97: {  	_ =	strace $0x8FFFFFFF  }
0x98: {  	s19 =	sld [smem:$0x3FDB];
	_ =	sdelay $0x1  }
0x99: {  	s4 =	simm.s32 $_scs_section_size  }
0x9a: {  	s5 =	simm.s32 $_size__tile_overlayer_lowered;
	s6 =	simm.s32 $_tile_overlayer_lowered  }
0x9b: {  	s22 =	simm.s32 $0x1BFF;
	s21 =	sshll.u32 s6, $0x1;
	s3 =	sadd.s32 s4, s19  }
0x9c: {  	s7 =	simm.s32 $0x0;
	s20 =	sshll.u32 s5, $0x1;
	s5 =	sadd.s32 s21, s3  }
0x9d: {  	[timem:s7], [sflag:s22] =	dma.local [hbm:s5], s20  }
0x9e: {  	_ =	swait.ge [sflag:s22], s20  }
0x9f: {  	s4 =	ssub.s32 $0x0, s20;
	[sflag:s22] =	ssyncset.done $0x0  }
0xa0: {  	[sflag:s22] =	ssyncadd.s32 s4;
	_ =	sdelay $0x1  }
0xa1: {  	s23 =	simm.s32 $0x1B8B  }
0xa2: {  	_ =	swait.ge [sflag:s23], $0x1  }
0xa3: {  	[sflag:s23] =	ssyncset.done $0x0  }
0xa4: {  	s25 =	simm.s32 $0x1B8E;
	s24 =	sld [smem:$0x3FFE];
	[sflag:s23] =	ssyncadd.s32 $0xFFFFFFFF  }
0xa5: {  	s26 =	simm.s32 $execute0_lowered;
	[smem:$0x3FD2] =	sst s25  }
0xa6: {  	s5 =	sshll.u32 s26, $0x1;
	_ =	strace $0x80000049;
	[dreg:$0x1] =	wrdreg $0xFFFFFFFF  }
0xa7: {  	s28 =	simm.s32 $_size_execute0_lowered;
	s3 =	sadd.s32 s3, s5;
	[dreg:$0x0] =	wrdreg $0x0  }
0xa8: {  	s5 =	sshll.u32 s28, $0x1;
	[dreg:$0x2] =	wrdreg s3  }
0xa9: {  	[dreg:$0x3] =	wrdreg s5  }
0xaa: {  	[dreg:$0x4] =	wrdreg $0xC0  }
0xab: {  	_ =	task [dreg:s7], $0x5FFFF  }
0xac: {  	[dreg:$0x1] =	wrdreg $0xFFFFFFFF  }
0xad: {  	[dreg:$0x0] =	wrdreg $0x60  }
0xae: {  	[dreg:$0x2] =	wrdreg s24  }
0xaf: {  	[dreg:$0x3] =	wrdreg s2  }
0xb0: {  	[dreg:$0x4] =	wrdreg $0xA8000  }
0xb1: {  	[dreg:$0x5] =	wrdreg $0x9  }
0xb2: {  	_ =	task.clear_ibuf [dreg:s7], $0x6FFFF;
	_ =	strace $0x90000049  }
0xb3: {  	s29 =	simm.s32 $0x9;
	_ =	strace $0x8000004B  }
0xb4: {  	_ =	swait.ge [sflag:s29], $0x1  }
0xb5: {  	[sflag:s29] =	ssyncadd.s32 $0xFFFFFFFF  }
0xb6: {  	_ =	strace $0x9000004B  }
0xb7: {  	_ =	sfence  }
0xb8: {  	s30 =	sld [smem:$0x0];
	_ =	sdelay $0x2  }
0xb9: {  	s31 =	sshll.u32 s1, $0xD;
	s1 =	sshrl.u32 s1, $0x2  }
0xba: {  	s3 =	sand.u32 $0x4000, s31;
	s1 =	sadd.s32 s1, s30  }
0xbb: {  	s0 =	sor.u32 s3, s0;
	s1 =	sshll.u32 s1, $0x11  }
0xbc: {  	s0 =	sor.u32 s1, s0  }
0xbd: {  	s0 =	sadd.s32 $0x8F2B, s0  }
0xbe: {  	[sflag:s0] =	ssyncadd.remote.s32 $0x1  }
0xbf: {  	_ =	sfence.sel $0xFFFF  }
0xc0: {  	[dreg:$0x0] =	wrdreg $0xFFFFFFFF;
	(pc) =	sbr.abs _section_cstart, $3  }
0xc1: {  	[dreg:$0x1] =	wrdreg $0xFFFFFFFF  }
0xc2: {  	_ =	task.clear_ibuf [dreg:s7], $0x2FFFF;
	_ =	strace $0x9FFFFFFF  }
0xc3: {  	(tm) =	ssettm $0x7FFFFFFF  }
tec
execute0_lowered:
.L_overlay_start_1:
0x0: {  	(tag) =	ssettag $0x1  }
0x1: {  	s5 =	rddreg [dreg:$0x0]  }
0x2: {  	s8 =	rddreg [dreg:$0x1]  }
0x3: {  	s2 =	rddreg [dreg:$0x2];
	s1 =	stileid.u32  }
0x4: {  	s3 =	srdreg.scid;
	s0 =	rddreg [dreg:$0x3];
	s18 =	simm.s32 $0x55F800  }
0x5: {  	s19 =	simm.s32 $0x2800;
	s20 =	simm.s32 $0x6800;
	s21 =	simm.s32 $0x1  }
0x6: {  	s22 =	simm.s32 $0x2;
	s23 =	simm.s32 $0x2780;
	s24 =	simm.s32 $0x2700  }
0x7: {  	s25 =	simm.s32 $0x0;
	s11 =	sand.u32 $0x1, s3;
	s6 =	smul.u32 $0x2800, s1  }
0x8: {  	s4 =	sshll.u32 s1, $0x1;
	s3 =	simm.s32 $0x0;
	s13 =	smul.u32 $0x50000, s1  }
0x9: {  	s15 =	sadd.s32 $0x37800, s5;
	s30 =	sshll.u32 s1, $0x6;
	s7 =	sor.u32 s11, s4  }
0xa: {  	[smem:$0x7FF] =	sst s3;
	s28 =	ssub.s32 $0x2, s11;
	s31 =	smul.u32 $0x28000, s11  }
0xb: {  	s4 =	sadd.s32 $0x35000, s5;
	p0 =	seq.s32 s11, $0x1;
	s9 =	smul.u32 $0x500, s7  }
0xc: {  	_ =	strace $0x8000004A;
	s14 =	sadd.s32 s6, s5;
	s12 =	sshrl.u32 s28, $0x1  }
0xd: {  	s29 =	sshrl.u32 s13, $0x2;
	s16 =	smul.u32 $0x28000, s7;
	s6 =	sor.u32 $0x1C03, s30  }
0xe: {  	s13 =	sadd.s32 s13, s15;
	s18 =	simm.s32 @!p0 $0x537800;
	s12 =	ssub.s32 s28, s12  }
0xf: {  	s17 =	sadd.s32 s29, s2;
	s13 =	sadd.s32 s31, s13;
	s10 =	sadd.s32 s9, s5  }
0x10: {  	s5 =	sadd.s32 $0x3000, s14;
	s8 =	sadd.s32 s8, s9;
	s9 =	sadd.s32 s15, s16  }
0x11: {  	s14 =	sadd.s32 s18, s14;
	s15 =	sadd.s32 $0x1000, s13;
	s16 =	sshrl.u32 s17, $0x3  }
0x12: {  	s17 =	simm.s32 $0x3;
	s18 =	simm.s32 $0x80;
	s7 =	sadd.s32 $0x2B000, s10  }
0x13: {  	s10 =	smax.u32 s12, $0x1;
	s11 =	sadd.s32 $0x27000, s9;
	s12 =	sadd.s32 $0x27800, s9  }
.LBB2_1:
0x14: {  	[spmem:s16], [sflag:s6] =	dma.local [hbm:s5], $0x2800  }
0x15: {  	_ =	swait.ge [sflag:s17], $0x2800  }
0x16: {  	[sflag:s17] =	ssyncset.done $0x0  }
0x17: {  	[sflag:s17] =	ssyncadd.s32 $0xFFFFD800  }
0x18: {  	[tilespmem:s3], [sflag:$0x3] =	stream.linear.gather [hbm4b:s7+s3], $0x2800, $0x38;
	[tilespmem:$0x1E800] =	vst v63  }
0x19: {  	_ =	swait.ge [sflag:s17], $0x2800  }
0x1a: {  	[sflag:s17] =	ssyncset.done $0x0  }
0x1b: {  	[sflag:s17] =	ssyncadd.s32 $0xFFFFD800  }
0x1c: {  	[bflag:$0x0] =	sbarrier.arrive $0xFFFF  }
0x1d: {  	[tilespmem:s19], [sflag:$0x3] =	stream.indirect.gather [spmem:s2], $0x80, s3, s18, $0xb8;
	[tilespmem:$0x1E800] =	vst v63  }
0x1e: {  	_ =	swait.ge [sflag:s17], $0x4000  }
0x1f: {  	[sflag:s17] =	ssyncset.done $0x0  }
0x20: {  	s26 =	sadd.s32 $0x0, s13;
	[sflag:s17] =	ssyncadd.s32 $0xFFFFC000  }
0x21: {  	[hbm4b:s26+s3] =	stream.linear.scatter [tilespmem:s19], [sflag:$0x1], $0x4000, $0x38;
	[tilespmem:$0x1E800] =	vst v63  }
0x22: {  	s28 =	simm.s32 $0x80  }
0x23: {  	[tilespmem:s20], [sflag:$0x3] =	stream.indirect.gather [spmem:s2], $0x80, s28, s18, $0xb8;
	[tilespmem:$0x1E800] =	vst v63  }
0x24: {  	_ =	swait.ge [sflag:s17], $0x4000  }
0x25: {  	[sflag:s17] =	ssyncset.done $0x0  }
0x26: {  	[sflag:s17] =	ssyncadd.s32 $0xFFFFC000  }
0x27: {  	_ =	swait.ge [sflag:s21], $0x4000  }
0x28: {  	[sflag:s21] =	ssyncset.done $0x0  }
0x29: {  	s26 =	sadd.s32 $0x800, s26;
	[sflag:s21] =	ssyncadd.s32 $0xFFFFC000  }
0x2a: {  	[hbm4b:s26+s3] =	stream.linear.scatter [tilespmem:s20], [sflag:$0x2], $0x4000, $0x38;
	[tilespmem:$0x1E800] =	vst v63  }
0x2b: {  	s31 =	simm.s32 $0x100  }
0x2c: {  	[tilespmem:s19], [sflag:$0x3] =	stream.indirect.gather [spmem:s2], $0x80, s31, s18, $0xb8;
	[tilespmem:$0x1E800] =	vst v63  }
0x2d: {  	_ =	swait.ge [sflag:s17], $0x4000  }
0x2e: {  	[sflag:s17] =	ssyncset.done $0x0  }
0x2f: {  	[sflag:s17] =	ssyncadd.s32 $0xFFFFC000  }
0x30: {  	s29 =	simm.s32 $0x2000;
	_ =	swait.ge [sflag:s22], $0x4000  }
0x31: {  	s28 =	simm.s32 $0x1000;
	s26 =	simm.s32 $0x200;
	[sflag:s22] =	ssyncset.done $0x0  }
.LBB2_2:
0x32: {  	s30 =	sadd.s32 s28, s13  }
0x33: {  	[sflag:s22] =	ssyncadd.s32 $0xFFFFC000;
	s28 =	smov.u32 s29;
	s31 =	sadd.s32 $0x1000, s29  }
0x34: {  	[hbm4b:s30+s3] =	stream.linear.scatter [tilespmem:s19], [sflag:$0x1], $0x4000, $0x38;
	[tilespmem:$0x1E800] =	vst v63  }
0x35: {  	p0 =	sne.s32 s29, $0x26000;
	s29 =	sadd.s32 $0xFFFFFF80, s26  }
0x36: {  	[tilespmem:s20], [sflag:$0x3] =	stream.indirect.gather [spmem:s2], $0x80, s29, s18, $0xb8;
	[tilespmem:$0x1E800] =	vst v63  }
0x37: {  	_ =	swait.ge [sflag:s17], $0x4000  }
0x38: {  	[sflag:s17] =	ssyncset.done $0x0  }
0x39: {  	[sflag:s17] =	ssyncadd.s32 $0xFFFFC000  }
0x3a: {  	_ =	swait.ge [sflag:s21], $0x4000  }
0x3b: {  	[sflag:s21] =	ssyncset.done $0x0  }
0x3c: {  	s29 =	sadd.s32 $0x800, s30;
	[sflag:s21] =	ssyncadd.s32 $0xFFFFC000  }
0x3d: {  	[hbm4b:s29+s3] =	stream.linear.scatter [tilespmem:s20], [sflag:$0x2], $0x4000, $0x38;
	[tilespmem:$0x1E800] =	vst v63  }
0x3e: {  	_ = 	snop  }
0x3f: {  	[tilespmem:s19], [sflag:$0x3] =	stream.indirect.gather [spmem:s2], $0x80, s26, s18, $0xb8;
	[tilespmem:$0x1E800] =	vst v63  }
.Ltmp0:
0x40: {  	_ =	swait.ge [sflag:s17], $0x4000;
	(pc) =	sbr.rel @p0 .LBB2_2-.Ltmp0, $4  }
0x41: {  	[sflag:s17] =	ssyncset.done $0x0  }
0x42: {  	[sflag:s17] =	ssyncadd.s32 $0xFFFFC000  }
0x43: {  	_ =	swait.ge [sflag:s22], $0x4000  }
0x44: {  	s29 =	smov.u32 s31;
	s26 =	sadd.s32 $0x100, s26;
	[sflag:s22] =	ssyncset.done $0x0  }
0x45: {  	s28 =	sadd.s32 s28, s13;
	[sflag:s22] =	ssyncadd.s32 $0xFFFFC000  }
0x46: {  	[hbm4b:s28+s3] =	stream.linear.scatter [tilespmem:s19], [sflag:$0x1], $0x4000, $0x38;
	[tilespmem:$0x1E800] =	vst v63  }
0x47: {  	s29 =	sadd.s32 $0xFFFFFF80, s26  }
0x48: {  	[tilespmem:s20], [sflag:$0x3] =	stream.indirect.gather [spmem:s2], $0x80, s29, s18, $0xb8;
	[tilespmem:$0x1E800] =	vst v63  }
0x49: {  	_ =	swait.ge [sflag:s17], $0x4000  }
0x4a: {  	[sflag:s17] =	ssyncset.done $0x0  }
0x4b: {  	[sflag:s17] =	ssyncadd.s32 $0xFFFFC000  }
0x4c: {  	_ =	swait.ge [sflag:s21], $0x4000  }
0x4d: {  	[sflag:s21] =	ssyncset.done $0x0  }
0x4e: {  	s28 =	sadd.s32 $0x800, s28;
	[sflag:s21] =	ssyncadd.s32 $0xFFFFC000  }
0x4f: {  	[hbm4b:s28+s3] =	stream.linear.scatter [tilespmem:s20], [sflag:$0x2], $0x4000, $0x38;
	[tilespmem:$0x1E800] =	vst v63  }
0x50: {  	_ = 	snop  }
0x51: {  	[tilespmem:s19], [sflag:$0x3] =	stream.indirect.gather [spmem:s2], $0x80, s26, s18, $0xb8;
	[tilespmem:$0x1E800] =	vst v63  }
0x52: {  	_ =	swait.ge [sflag:s17], $0x4000  }
0x53: {  	[sflag:s17] =	ssyncset.done $0x0  }
0x54: {  	[sflag:s17] =	ssyncadd.s32 $0xFFFFC000  }
0x55: {  	_ =	swait.ge [sflag:s22], $0x4000  }
0x56: {  	[sflag:s22] =	ssyncset.done $0x0  }
0x57: {  	s31 =	simm.s32 $0x0;
	[sflag:s22] =	ssyncadd.s32 $0xFFFFC000  }
0x58: {  	[hbm4b:s11+s31] =	stream.linear.scatter [tilespmem:s19], [sflag:$0x1], $0x4000, $0x38;
	[tilespmem:$0x1E800] =	vst v63  }
0x59: {  	_ = 	snop  }
0x5a: {  	[tilespmem:s20], [sflag:$0x3] =	stream.indirect.gather [spmem:s2], $0x80, s23, s18, $0xb8;
	[tilespmem:$0x1E800] =	vst v63  }
0x5b: {  	_ =	swait.ge [sflag:s17], $0x4000  }
0x5c: {  	[sflag:s17] =	ssyncset.done $0x0  }
0x5d: {  	[sflag:s17] =	ssyncadd.s32 $0xFFFFC000  }
0x5e: {  	_ =	swait.ge [sflag:s21], $0x4000  }
0x5f: {  	[sflag:s21] =	ssyncset.done $0x0  }
0x60: {  	[sflag:s21] =	ssyncadd.s32 $0xFFFFC000  }
0x61: {  	[hbm4b:s12+s31] =	stream.linear.scatter [tilespmem:s20], [sflag:$0x2], $0x4000, $0x38;
	[tilespmem:$0x1E800] =	vst v63  }
0x62: {  	_ =	swait.ge [sflag:s22], $0x4000  }
0x63: {  	[sflag:s22] =	ssyncset.done $0x0  }
0x64: {  	[sflag:s22] =	ssyncadd.s32 $0xFFFFC000  }
0x65: {  	[bflag:$0x0] =	sbarrier.arrive $0xFFFF  }
0x66: {  	[spmem:s16], [sflag:s6] =	dma.local [hbm:s4], $0x2800  }
0x67: {  	_ =	swait.ge [sflag:s17], $0x2800  }
0x68: {  	[sflag:s17] =	ssyncset.done $0x0  }
0x69: {  	[sflag:s17] =	ssyncadd.s32 $0xFFFFD800  }
0x6a: {  	[tilespmem:s31], [sflag:$0x3] =	stream.linear.gather [hbm4b:s8+s31], $0x2800, $0x38;
	[tilespmem:$0x1E800] =	vst v63  }
0x6b: {  	_ =	swait.ge [sflag:s17], $0x2800  }
0x6c: {  	[sflag:s17] =	ssyncset.done $0x0  }
0x6d: {  	[sflag:s17] =	ssyncadd.s32 $0xFFFFD800  }
0x6e: {  	[bflag:$0x0] =	sbarrier.arrive $0xFFFF  }
0x6f: {  	[tilespmem:s19], [sflag:$0x1] =	stream.linear.gather [hbm4b:s9+s31], $0x4000, $0x38;
	[tilespmem:$0x1E800] =	vst v63  }
0x70: {  	_ =	swait.ge [sflag:s21], $0x4000  }
0x71: {  	[sflag:s21] =	ssyncset.done $0x0  }
0x72: {  	s29 =	sadd.s32 $0xFFFFF800, s15;
	[sflag:s21] =	ssyncadd.s32 $0xFFFFC000  }
0x73: {  	[tilespmem:s20], [sflag:$0x2] =	stream.linear.gather [hbm4b:s29+s3], $0x4000, $0x38;
	[tilespmem:$0x1E800] =	vst v63  }
0x74: {  	s30 =	simm.s32 $0x0  }
0x75: {  	[spmem:s2] =	stream.indirect.scatter.add.f32 [tilespmem:s19], [sflag:$0x3], $0x80, s30, s18, $0xb8;
	[tilespmem:$0x1E800] =	vst v63  }
0x76: {  	_ =	swait.ge [sflag:s17], $0x4000  }
0x77: {  	[sflag:s17] =	ssyncset.done $0x0  }
0x78: {  	[sflag:s17] =	ssyncadd.s32 $0xFFFFC000  }
0x79: {  	_ =	swait.ge [sflag:s22], $0x4000  }
0x7a: {  	[sflag:s22] =	ssyncset.done $0x0  }
0x7b: {  	[sflag:s22] =	ssyncadd.s32 $0xFFFFC000  }
0x7c: {  	[tilespmem:s19], [sflag:$0x1] =	stream.linear.gather [hbm4b:s15+s3], $0x4000, $0x38;
	[tilespmem:$0x1E800] =	vst v63  }
0x7d: {  	s31 =	simm.s32 $0x80  }
0x7e: {  	[spmem:s2] =	stream.indirect.scatter.add.f32 [tilespmem:s20], [sflag:$0x3], $0x80, s31, s18, $0xb8;
	[tilespmem:$0x1E800] =	vst v63  }
0x7f: {  	_ =	swait.ge [sflag:s17], $0x4000  }
0x80: {  	s28 =	smov.u32 s15;
	s26 =	simm.s32 $0x400;
	[sflag:s17] =	ssyncset.done $0x0  }
.LBB2_4:
0x81: {  	p0 =	sne.s32 s26, $0x9800;
	[sflag:s17] =	ssyncadd.s32 $0xFFFFC000;
	s28 =	sadd.s32 $0x1000, s28  }
0x82: {  	s29 =	smov.u32 s26;
	s26 =	sadd.s32 $0x400, s26  }
0x83: {  	_ =	swait.ge [sflag:s21], $0x4000  }
0x84: {  	[sflag:s21] =	ssyncset.done $0x0  }
0x85: {  	s30 =	sadd.s32 $0xFFFFF800, s28;
	[sflag:s21] =	ssyncadd.s32 $0xFFFFC000  }
0x86: {  	[tilespmem:s20], [sflag:$0x2] =	stream.linear.gather [hbm4b:s30+s3], $0x4000, $0x38;
	[tilespmem:$0x1E800] =	vst v63  }
0x87: {  	s29 =	sshra.s32 s29, $0x2  }
0x88: {  	[spmem:s2] =	stream.indirect.scatter.add.f32 [tilespmem:s19], [sflag:$0x3], $0x80, s29, s18, $0xb8;
	[tilespmem:$0x1E800] =	vst v63  }
0x89: {  	_ =	swait.ge [sflag:s17], $0x4000  }
0x8a: {  	[sflag:s17] =	ssyncset.done $0x0  }
0x8b: {  	[sflag:s17] =	ssyncadd.s32 $0xFFFFC000  }
0x8c: {  	_ =	swait.ge [sflag:s22], $0x4000  }
0x8d: {  	[sflag:s22] =	ssyncset.done $0x0  }
0x8e: {  	[sflag:s22] =	ssyncadd.s32 $0xFFFFC000  }
0x8f: {  	[tilespmem:s19], [sflag:$0x1] =	stream.linear.gather [hbm4b:s28+s3], $0x4000, $0x38;
	[tilespmem:$0x1E800] =	vst v63  }
.Ltmp1:
0x90: {  	_ = 	snop;
	(pc) =	sbr.rel @p0 .LBB2_4-.Ltmp1, $4  }
0x91: {  	s29 =	sadd.s32 $0x80, s29  }
0x92: {  	[spmem:s2] =	stream.indirect.scatter.add.f32 [tilespmem:s20], [sflag:$0x3], $0x80, s29, s18, $0xb8;
	[tilespmem:$0x1E800] =	vst v63  }
0x93: {  	_ =	swait.ge [sflag:s17], $0x4000  }
0x94: {  	[sflag:s17] =	ssyncset.done $0x0  }
0x95: {  	[sflag:s17] =	ssyncadd.s32 $0xFFFFC000  }
0x96: {  	_ =	swait.ge [sflag:s21], $0x4000  }
0x97: {  	[sflag:s21] =	ssyncset.done $0x0  }
0x98: {  	[sflag:s21] =	ssyncadd.s32 $0xFFFFC000  }
0x99: {  	[tilespmem:s20], [sflag:$0x2] =	stream.linear.gather [hbm4b:s12+s3], $0x4000, $0x38;
	[tilespmem:$0x1E800] =	vst v63  }
0x9a: {  	_ = 	snop  }
0x9b: {  	[spmem:s2] =	stream.indirect.scatter.add.f32 [tilespmem:s19], [sflag:$0x3], $0x80, s24, s18, $0xb8;
	[tilespmem:$0x1E800] =	vst v63  }
0x9c: {  	_ =	swait.ge [sflag:s17], $0x4000  }
0x9d: {  	[sflag:s17] =	ssyncset.done $0x0  }
0x9e: {  	[sflag:s17] =	ssyncadd.s32 $0xFFFFC000  }
0x9f: {  	_ =	swait.ge [sflag:s22], $0x4000  }
0xa0: {  	[sflag:s22] =	ssyncset.done $0x0  }
0xa1: {  	[sflag:s22] =	ssyncadd.s32 $0xFFFFC000  }
0xa2: {  	[spmem:s2] =	stream.indirect.scatter.add.f32 [tilespmem:s20], [sflag:$0x3], $0x80, s23, s18, $0xb8;
	[tilespmem:$0x1E800] =	vst v63  }
0xa3: {  	_ =	swait.ge [sflag:s17], $0x4000  }
0xa4: {  	s25 =	sadd.s32 $0x1, s25;
	[sflag:s17] =	ssyncset.done $0x0  }
0xa5: {  	p0 =	sne.s32 s25, s10;
	[sflag:s17] =	ssyncadd.s32 $0xFFFFC000  }
.Ltmp2:
0xa6: {  	[bflag:$0x0] =	sbarrier.arrive $0xFFFF;
	(pc) =	sbr.rel @p0 .LBB2_1-.Ltmp2, $4  }
0xa7: {  	[hbm:s14], [sflag:s6] =	dma.local [spmem:s16], $0x2800  }
0xa8: {  	_ =	swait.ge [sflag:s17], $0x2800  }
0xa9: {  	[sflag:s17] =	ssyncset.done $0x0  }
0xaa: {  	[sflag:s17] =	ssyncadd.s32 $0xFFFFD800  }
0xab: {  	_ =	sfence.sel $0x180000  }
0xac: {  	[bflag:$0x0] =	sbarrier.arrive $0xFFFF  }
0xad: {  	p0 =	sne.s32 s1, $0x0;
	_ =	strace $0x9000004A  }
0xae: {  	s0 =	sadd.s32 @!p0 $0x100000, s0;
	[bflag:$0x2] =	sbarrier.arrive $0xFFFF  }
0xaf: {  	[sflag:s0] =	ssyncadd.tile.s32 @!p0 $0x1;
	_ =	shalt  }
.Lfunc_end2:
_tile_overlayer_lowered:
.L_overlay_start_2:
0xb0: {  	(tag) =	ssettag $0x2  }
0xb1: {  	s0 =	rddreg [dreg:$0x0];
	s2 =	stileid.u32  }
0xb2: {  	s1 =	rddreg [dreg:$0x1];
	p0 =	sne.s32 s2, $0x0  }
0xb3: {  	s3 =	rddreg [dreg:$0x2];
	[bflag:$0x3] =	sbarrier.arrive $0xFFFF;
	s2 =	simm.s32 @!p0 $0x1C03  }
0xb4: {  	[timem:s3], [sflag:s2] =	dma.local @!p0 [hbm:s0], s1  }
0xb5: {  	s0 =	simm.s32 @!p0 $0x3  }
0xb6: {  	_ =	swait.ge @!p0 [sflag:s0], s1  }
0xb7: {  	s1 =	ssub.s32 @!p0 $0x0, s1;
	[sflag:s0] =	ssyncset.done @!p0 $0x0  }
0xb8: {  	[sflag:s0] =	ssyncadd.s32 @!p0 s1  }
0xb9: {  	[bflag:$0x3] =	sbarrier.arrive $0xFFFF  }
0xba: {  	_ =	shalt  }

// kernel: kernel.7.cloned.1.call-start
scs
__scs_entry_jumppad:
0x0: {  	(pc) =	sbr.rel $0x88, $3  }
0x1: {  	(tag) =	ssettag $0x0;
	lr =	simm.s32 $0x1  }
0x2: {  	[smem:$0x3F97] =	sst lr;
	_ =	strace $0xD0000000  }
0x3: {  	_ = 	snop  }
0x4: {  	_ = 	snop  }
0x5: {  	_ = 	snop  }
0x6: {  	_ = 	snop  }
0x7: {  	_ = 	snop  }
__scs_overlays_trampoline_lowered:
0x8: {  	[smem:$0x3FA6] =	sst s0  }
0x9: {  	[smem:$0x3FA7] =	sst s1  }
0xa: {  	[smem:$0x3FA8] =	sst s2  }
0xb: {  	[smem:$0x3FA9] =	sst s3  }
0xc: {  	[smem:$0x3FAA] =	sst s4  }
0xd: {  	[smem:$0x3FAB] =	sst s5  }
0xe: {  	[smem:$0x3FAC] =	sst s6  }
0xf: {  	[smem:$0x3FAD] =	sst s7  }
0x10: {  	[smem:$0x3FAE] =	sst s8  }
0x11: {  	[smem:$0x3FAF] =	sst s9;
	s0 =	simm.s32 @!p0 $0x0  }
0x12: {  	s1 =	sld [smem:$0x3F95];
	s0 =	simm.s32 @p0 $0x1  }
0x13: {  	[smem:$0x3FB0] =	sst s0;
	s0 =	simm.s32 @!p1 $0x0  }
0x14: {  	s2 =	sld [smem:$0x3F94];
	s0 =	simm.s32 @p1 $0x1  }
0x15: {  	[smem:$0x3FB1] =	sst s0;
	s0 =	simm.s32 @!p2 $0x0  }
0x16: {  	s3 =	sld [smem:$0x3FDB];
	s0 =	simm.s32 @p2 $0x1  }
0x17: {  	s4 =	simm.s32 $0x1BF5;
	[smem:$0x3FB3] =	sst s0  }
0x18: {  	s0 =	sld [smem:$0x3F96];
	_ =	swait.ge [sflag:s4], $0x0  }
0x19: {  	s7 =	sld [smem:$0x3F97]  }
0x1a: {  	s8 =	sadd.s32 $0xFFFFE003, lr  }
0x1b: {  	s9 =	sadd.s32 $0xFFFFFEF7, lr;
	s5 =	simm.s32 $0xFFFFFFFF;
	p2 =	slt.u32 s8, $0xFFFFF086  }
0x1c: {  	p1 =	slt.u32 s9, $0xF7A;
	s5 =	simm.s32 @!p2 $0x0  }
0x1d: {  	s5 =	simm.s32 @p1 $0x1;
	p0 =	seq.s32 s7, s2  }
0x1e: {  	s7 =	smul.u32 @!p0 $0xF7A, s2;
	p2 =	seq.s32 @!p0 s5, $0x0  }
0x1f: {  	s9 =	smul.u32 $0xF7A, s1;
	s8 =	simm.s32 @!p0 $0x1BF5;
	p2 =	por !p2, p0  }
0x20: {  	[sflag:s8] =	ssyncset.s32 @!p0 $0xFFFFF086;
	s6 =	sadd.s32 @!p0 s3, s7;
	s7 =	simm.s32 @!p0 $0x108  }
0x21: {  	s3 =	sadd.s32 s3, s9;
	s6 =	sadd.s32 @!p0 $0x88, s6;
	s7 =	simm.s32 @p2 $0x1082  }
0x22: {  	[simem:s7], [sflag:s8] =	dma.local @!p0 [hbm:s6], $0xF7A  }
0x23: {  	s9 =	sor.u32 $0xD0000000, s2;
	s6 =	simm.s32 $0x108;
	_ =	swait.ge @!p0 [sflag:s8], $0x0  }
0x24: {  	s3 =	sadd.s32 $0x88, s3;
	s6 =	simm.s32 @!p1 $0x1082;
	[sflag:s4] =	ssyncset.s32 $0xFFFFF086  }
0x25: {  	[simem:s6], [sflag:s4] =	dma.local [hbm:s3], $0xF7A  }
0x26: {  	[smem:$0x3F97] =	sst s1;
	(tag) =	ssettag s2;
	_ =	strace s9  }
0x27: {  	s1 =	sld [smem:$0x3FA7]  }
0x28: {  	s2 =	sld [smem:$0x3FA8]  }
0x29: {  	s4 =	sld [smem:$0x3FAA]  }
0x2a: {  	p0 =	seq.s32 s5, $0x0;
	s5 =	sld [smem:$0x3FAB]  }
0x2b: {  	s6 =	sld [smem:$0x3FAC]  }
0x2c: {  	s7 =	sld [smem:$0x3FAD]  }
0x2d: {  	s3 =	simm.s32 $0x108;
	s8 =	sld [smem:$0x3FAE]  }
0x2e: {  	s3 =	simm.s32 @!p0 $0x1082;
	s9 =	sld [smem:$0x3FAF]  }
0x2f: {  	lr =	sadd.s32 s0, s3;
	s0 =	sld [smem:$0x3FA6]  }
0x30: {  	s3 =	sld [smem:$0x3FA9]  }
0x31: {  	[smem:$0x3FB2] =	sst s10  }
0x32: {  	s10 =	sld [smem:$0x3FB0];
	_ =	sdelay $0x3  }
0x33: {  	p0 =	seq.s32 s10, $0x1;
	s10 =	sld [smem:$0x3FB2];
	_ =	sdelay $0x3  }
0x34: {  	[smem:$0x3FB2] =	sst s10  }
0x35: {  	s10 =	sld [smem:$0x3FB1];
	_ =	sdelay $0x3  }
0x36: {  	p1 =	seq.s32 s10, $0x1;
	s10 =	sld [smem:$0x3FB2];
	_ =	sdelay $0x3  }
0x37: {  	[smem:$0x3FB2] =	sst s10  }
0x38: {  	s10 =	sld [smem:$0x3FB3]  }
0x39: {  	_ = 	snop;
	(pc) =	sbr.ind lr, $3  }
0x3a: {  	_ = 	snop  }
0x3b: {  	_ = 	snop  }
0x3c: {  	p2 =	seq.s32 s10, $0x1;
	s10 =	sld [smem:$0x3FB2]  }
0x3d: {  	_ =	shalt  }
0x3e: {  	_ =	shalt  }
0x3f: {  	_ =	shalt  }
0x40: {  	_ =	shalt  }
0x41: {  	_ =	shalt  }
0x42: {  	_ =	shalt  }
0x43: {  	_ =	shalt  }
0x44: {  	_ =	shalt  }
0x45: {  	_ =	shalt  }
0x46: {  	_ =	shalt  }
0x47: {  	_ =	shalt  }
0x48: {  	_ =	shalt  }
0x49: {  	_ =	shalt  }
0x4a: {  	_ =	shalt  }
0x4b: {  	_ =	shalt  }
0x4c: {  	_ =	shalt  }
0x4d: {  	_ =	shalt  }
0x4e: {  	_ =	shalt  }
0x4f: {  	_ =	shalt  }
0x50: {  	_ =	shalt  }
0x51: {  	_ =	shalt  }
0x52: {  	_ =	shalt  }
0x53: {  	_ =	shalt  }
0x54: {  	_ =	shalt  }
0x55: {  	_ =	shalt  }
0x56: {  	_ =	shalt  }
0x57: {  	_ =	shalt  }
0x58: {  	_ =	shalt  }
0x59: {  	_ =	shalt  }
0x5a: {  	_ =	shalt  }
0x5b: {  	_ =	shalt  }
0x5c: {  	_ =	shalt  }
0x5d: {  	_ =	shalt  }
0x5e: {  	_ =	shalt  }
0x5f: {  	_ =	shalt  }
0x60: {  	_ =	shalt  }
0x61: {  	_ =	shalt  }
0x62: {  	_ =	shalt  }
0x63: {  	_ =	shalt  }
0x64: {  	_ =	shalt  }
0x65: {  	_ =	shalt  }
0x66: {  	_ =	shalt  }
0x67: {  	_ =	shalt  }
0x68: {  	_ =	shalt  }
0x69: {  	_ =	shalt  }
0x6a: {  	_ =	shalt  }
0x6b: {  	_ =	shalt  }
0x6c: {  	_ =	shalt  }
0x6d: {  	_ =	shalt  }
0x6e: {  	_ =	shalt  }
0x6f: {  	_ =	shalt  }
0x70: {  	_ =	shalt  }
0x71: {  	_ =	shalt  }
0x72: {  	_ =	shalt  }
0x73: {  	_ =	shalt  }
0x74: {  	_ =	shalt  }
0x75: {  	_ =	shalt  }
0x76: {  	_ =	shalt  }
0x77: {  	_ =	shalt  }
0x78: {  	_ =	shalt  }
0x79: {  	_ =	shalt  }
0x7a: {  	_ =	shalt  }
0x7b: {  	_ =	shalt  }
0x7c: {  	_ =	shalt  }
0x7d: {  	_ =	shalt  }
0x7e: {  	_ =	shalt  }
0x7f: {  	_ =	shalt  }
0x80: {  	_ =	shalt  }
0x81: {  	_ =	shalt  }
0x82: {  	_ =	shalt  }
0x83: {  	_ =	shalt  }
0x84: {  	_ =	shalt  }
0x85: {  	_ =	shalt  }
0x86: {  	_ =	shalt  }
0x87: {  	_ =	shalt  }
.Lfunc_end0:
.L_simem_size_0:
called_computation_lowered:
.L_overlay_start_0:
0x88: {  	s2 =	sld [smem:$0x3FD9]  }
0x89: {  	s3 =	sld [smem:$0x3FFE];
	_ =	sdelay $0x1  }
0x8a: {  	s1 =	srdreg.scid  }
0x8b: {  	s0 =	sand.u32 $0x1, s1  }
0x8c: {  	s17 =	sshll.u32 s0, $0xA;
	s2 =	sadd.s32 s3, s2  }
0x8d: {  	s2 =	sadd.s32 s2, s17  }
0x8e: {  	[smem:$0x3FBE] =	sst s2  }
0x8f: {  	_ = 	snop  }
0x90: {  	s2 =	sld [smem:$0x3FD0];
	(tm) =	ssettm $0x1  }
0x91: {  	s18 =	sld [smem:$0x3FFB];
	_ =	sdelay $0x3  }
0x92: {  	_ =	strace s18  }
0x93: {  	s3 =	sld [smem:$0x3FFC];
	_ =	sdelay $0x3  }
0x94: {  	_ =	strace s3  }
0x95: {  	s3 =	sld [smem:$0x3FFD];
	_ =	sdelay $0x3  }
0x96: {  	_ =	strace s3  }
0x97: {  	_ =	strace $0x8FFFFFFF  }
0x98: {  	s19 =	sld [smem:$0x3FDB];
	_ =	sdelay $0x1  }
0x99: {  	s4 =	simm.s32 $_scs_section_size  }
0x9a: {  	s5 =	simm.s32 $_size__tile_overlayer_lowered;
	s6 =	simm.s32 $_tile_overlayer_lowered  }
0x9b: {  	s22 =	simm.s32 $0x1BFF;
	s21 =	sshll.u32 s6, $0x1;
	s3 =	sadd.s32 s4, s19  }
0x9c: {  	s7 =	simm.s32 $0x0;
	s20 =	sshll.u32 s5, $0x1;
	s5 =	sadd.s32 s21, s3  }
0x9d: {  	[timem:s7], [sflag:s22] =	dma.local [hbm:s5], s20  }
0x9e: {  	_ =	swait.ge [sflag:s22], s20  }
0x9f: {  	s4 =	ssub.s32 $0x0, s20;
	[sflag:s22] =	ssyncset.done $0x0  }
0xa0: {  	[sflag:s22] =	ssyncadd.s32 s4;
	_ =	sdelay $0x1  }
0xa1: {  	s23 =	simm.s32 $0x1B8B  }
0xa2: {  	_ =	swait.ge [sflag:s23], $0x1  }
0xa3: {  	[sflag:s23] =	ssyncset.done $0x0  }
0xa4: {  	s25 =	simm.s32 $0x1B8E;
	s24 =	sld [smem:$0x3FFE];
	[sflag:s23] =	ssyncadd.s32 $0xFFFFFFFF  }
0xa5: {  	s26 =	simm.s32 $execute0_lowered;
	[smem:$0x3FD2] =	sst s25  }
0xa6: {  	s5 =	sshll.u32 s26, $0x1;
	_ =	strace $0x80000046;
	[dreg:$0x1] =	wrdreg $0xFFFFFFFF  }
0xa7: {  	s28 =	simm.s32 $_size_execute0_lowered;
	s3 =	sadd.s32 s3, s5;
	[dreg:$0x0] =	wrdreg $0x0  }
0xa8: {  	s5 =	sshll.u32 s28, $0x1;
	[dreg:$0x2] =	wrdreg s3  }
0xa9: {  	[dreg:$0x3] =	wrdreg s5  }
0xaa: {  	[dreg:$0x4] =	wrdreg $0xC0  }
0xab: {  	_ =	task [dreg:s7], $0x5FFFF  }
0xac: {  	[dreg:$0x1] =	wrdreg $0xFFFFFFFF  }
0xad: {  	[dreg:$0x0] =	wrdreg $0x60  }
0xae: {  	[dreg:$0x2] =	wrdreg s24  }
0xaf: {  	[dreg:$0x3] =	wrdreg s2  }
0xb0: {  	[dreg:$0x4] =	wrdreg $0xA8000  }
0xb1: {  	[dreg:$0x5] =	wrdreg $0x9  }
0xb2: {  	_ =	task.clear_ibuf [dreg:s7], $0x6FFFF;
	_ =	strace $0x90000046  }
0xb3: {  	s29 =	simm.s32 $0x9;
	_ =	strace $0x80000048  }
0xb4: {  	_ =	swait.ge [sflag:s29], $0x1  }
0xb5: {  	[sflag:s29] =	ssyncadd.s32 $0xFFFFFFFF  }
0xb6: {  	_ =	strace $0x90000048  }
0xb7: {  	_ =	sfence  }
0xb8: {  	s30 =	sld [smem:$0x0];
	_ =	sdelay $0x2  }
0xb9: {  	s31 =	sshll.u32 s1, $0xD;
	s1 =	sshrl.u32 s1, $0x2  }
0xba: {  	s3 =	sand.u32 $0x4000, s31;
	s1 =	sadd.s32 s1, s30  }
0xbb: {  	s0 =	sor.u32 s3, s0;
	s1 =	sshll.u32 s1, $0x11  }
0xbc: {  	s0 =	sor.u32 s1, s0  }
0xbd: {  	s0 =	sadd.s32 $0x8F2B, s0  }
0xbe: {  	[sflag:s0] =	ssyncadd.remote.s32 $0x1  }
0xbf: {  	_ =	sfence.sel $0xFFFF  }
0xc0: {  	[dreg:$0x0] =	wrdreg $0xFFFFFFFF;
	(pc) =	sbr.abs _section_cstart, $3  }
0xc1: {  	[dreg:$0x1] =	wrdreg $0xFFFFFFFF  }
0xc2: {  	_ =	task.clear_ibuf [dreg:s7], $0x2FFFF;
	_ =	strace $0x9FFFFFFF  }
0xc3: {  	(tm) =	ssettm $0x7FFFFFFF  }
tec
execute0_lowered:
.L_overlay_start_1:
0x0: {  	(tag) =	ssettag $0x1  }
0x1: {  	s5 =	rddreg [dreg:$0x0]  }
0x2: {  	s8 =	rddreg [dreg:$0x1]  }
0x3: {  	s2 =	rddreg [dreg:$0x2];
	s1 =	stileid.u32  }
0x4: {  	s3 =	srdreg.scid;
	s0 =	rddreg [dreg:$0x3];
	s18 =	simm.s32 $0x55F800  }
0x5: {  	s19 =	simm.s32 $0x2800;
	s20 =	simm.s32 $0x6800;
	s21 =	simm.s32 $0x1  }
0x6: {  	s22 =	simm.s32 $0x2;
	s23 =	simm.s32 $0x2780;
	s24 =	simm.s32 $0x2700  }
0x7: {  	s25 =	simm.s32 $0x0;
	s11 =	sand.u32 $0x1, s3;
	s6 =	smul.u32 $0x2800, s1  }
0x8: {  	s4 =	sshll.u32 s1, $0x1;
	s3 =	simm.s32 $0x0;
	s13 =	smul.u32 $0x50000, s1  }
0x9: {  	s15 =	sadd.s32 $0x37800, s5;
	s30 =	sshll.u32 s1, $0x6;
	s7 =	sor.u32 s11, s4  }
0xa: {  	[smem:$0x7FF] =	sst s3;
	s28 =	ssub.s32 $0x2, s11;
	s31 =	smul.u32 $0x28000, s11  }
0xb: {  	s4 =	sadd.s32 $0x35000, s5;
	p0 =	seq.s32 s11, $0x1;
	s9 =	smul.u32 $0x500, s7  }
0xc: {  	_ =	strace $0x80000047;
	s14 =	sadd.s32 s6, s5;
	s12 =	sshrl.u32 s28, $0x1  }
0xd: {  	s29 =	sshrl.u32 s13, $0x2;
	s16 =	smul.u32 $0x28000, s7;
	s6 =	sor.u32 $0x1C03, s30  }
0xe: {  	s13 =	sadd.s32 s13, s15;
	s18 =	simm.s32 @!p0 $0x537800;
	s12 =	ssub.s32 s28, s12  }
0xf: {  	s17 =	sadd.s32 s29, s2;
	s13 =	sadd.s32 s31, s13;
	s10 =	sadd.s32 s9, s5  }
0x10: {  	s5 =	sadd.s32 $0x3000, s14;
	s8 =	sadd.s32 s8, s9;
	s9 =	sadd.s32 s15, s16  }
0x11: {  	s14 =	sadd.s32 s18, s14;
	s15 =	sadd.s32 $0x1000, s13;
	s16 =	sshrl.u32 s17, $0x3  }
0x12: {  	s17 =	simm.s32 $0x3;
	s18 =	simm.s32 $0x80;
	s7 =	sadd.s32 $0x2B000, s10  }
0x13: {  	s10 =	smax.u32 s12, $0x1;
	s11 =	sadd.s32 $0x27000, s9;
	s12 =	sadd.s32 $0x27800, s9  }
.LBB2_1:
0x14: {  	[spmem:s16], [sflag:s6] =	dma.local [hbm:s5], $0x2800  }
0x15: {  	_ =	swait.ge [sflag:s17], $0x2800  }
0x16: {  	[sflag:s17] =	ssyncset.done $0x0  }
0x17: {  	[sflag:s17] =	ssyncadd.s32 $0xFFFFD800  }
0x18: {  	[tilespmem:s3], [sflag:$0x3] =	stream.linear.gather [hbm4b:s7+s3], $0x2800, $0x38;
	[tilespmem:$0x1E800] =	vst v63  }
0x19: {  	_ =	swait.ge [sflag:s17], $0x2800  }
0x1a: {  	[sflag:s17] =	ssyncset.done $0x0  }
0x1b: {  	[sflag:s17] =	ssyncadd.s32 $0xFFFFD800  }
0x1c: {  	[bflag:$0x0] =	sbarrier.arrive $0xFFFF  }
0x1d: {  	[tilespmem:s19], [sflag:$0x3] =	stream.indirect.gather [spmem:s2], $0x80, s3, s18, $0xb8;
	[tilespmem:$0x1E800] =	vst v63  }
0x1e: {  	_ =	swait.ge [sflag:s17], $0x4000  }
0x1f: {  	[sflag:s17] =	ssyncset.done $0x0  }
0x20: {  	s26 =	sadd.s32 $0x0, s13;
	[sflag:s17] =	ssyncadd.s32 $0xFFFFC000  }
0x21: {  	[hbm4b:s26+s3] =	stream.linear.scatter [tilespmem:s19], [sflag:$0x1], $0x4000, $0x38;
	[tilespmem:$0x1E800] =	vst v63  }
0x22: {  	s28 =	simm.s32 $0x80  }
0x23: {  	[tilespmem:s20], [sflag:$0x3] =	stream.indirect.gather [spmem:s2], $0x80, s28, s18, $0xb8;
	[tilespmem:$0x1E800] =	vst v63  }
0x24: {  	_ =	swait.ge [sflag:s17], $0x4000  }
0x25: {  	[sflag:s17] =	ssyncset.done $0x0  }
0x26: {  	[sflag:s17] =	ssyncadd.s32 $0xFFFFC000  }
0x27: {  	_ =	swait.ge [sflag:s21], $0x4000  }
0x28: {  	[sflag:s21] =	ssyncset.done $0x0  }
0x29: {  	s26 =	sadd.s32 $0x800, s26;
	[sflag:s21] =	ssyncadd.s32 $0xFFFFC000  }
0x2a: {  	[hbm4b:s26+s3] =	stream.linear.scatter [tilespmem:s20], [sflag:$0x2], $0x4000, $0x38;
	[tilespmem:$0x1E800] =	vst v63  }
0x2b: {  	s31 =	simm.s32 $0x100  }
0x2c: {  	[tilespmem:s19], [sflag:$0x3] =	stream.indirect.gather [spmem:s2], $0x80, s31, s18, $0xb8;
	[tilespmem:$0x1E800] =	vst v63  }
0x2d: {  	_ =	swait.ge [sflag:s17], $0x4000  }
0x2e: {  	[sflag:s17] =	ssyncset.done $0x0  }
0x2f: {  	[sflag:s17] =	ssyncadd.s32 $0xFFFFC000  }
0x30: {  	s29 =	simm.s32 $0x2000;
	_ =	swait.ge [sflag:s22], $0x4000  }
0x31: {  	s28 =	simm.s32 $0x1000;
	s26 =	simm.s32 $0x200;
	[sflag:s22] =	ssyncset.done $0x0  }
.LBB2_2:
0x32: {  	s30 =	sadd.s32 s28, s13  }
0x33: {  	[sflag:s22] =	ssyncadd.s32 $0xFFFFC000;
	s28 =	smov.u32 s29;
	s31 =	sadd.s32 $0x1000, s29  }
0x34: {  	[hbm4b:s30+s3] =	stream.linear.scatter [tilespmem:s19], [sflag:$0x1], $0x4000, $0x38;
	[tilespmem:$0x1E800] =	vst v63  }
0x35: {  	p0 =	sne.s32 s29, $0x26000;
	s29 =	sadd.s32 $0xFFFFFF80, s26  }
0x36: {  	[tilespmem:s20], [sflag:$0x3] =	stream.indirect.gather [spmem:s2], $0x80, s29, s18, $0xb8;
	[tilespmem:$0x1E800] =	vst v63  }
0x37: {  	_ =	swait.ge [sflag:s17], $0x4000  }
0x38: {  	[sflag:s17] =	ssyncset.done $0x0  }
0x39: {  	[sflag:s17] =	ssyncadd.s32 $0xFFFFC000  }
0x3a: {  	_ =	swait.ge [sflag:s21], $0x4000  }
0x3b: {  	[sflag:s21] =	ssyncset.done $0x0  }
0x3c: {  	s29 =	sadd.s32 $0x800, s30;
	[sflag:s21] =	ssyncadd.s32 $0xFFFFC000  }
0x3d: {  	[hbm4b:s29+s3] =	stream.linear.scatter [tilespmem:s20], [sflag:$0x2], $0x4000, $0x38;
	[tilespmem:$0x1E800] =	vst v63  }
0x3e: {  	_ = 	snop  }
0x3f: {  	[tilespmem:s19], [sflag:$0x3] =	stream.indirect.gather [spmem:s2], $0x80, s26, s18, $0xb8;
	[tilespmem:$0x1E800] =	vst v63  }
.Ltmp0:
0x40: {  	_ =	swait.ge [sflag:s17], $0x4000;
	(pc) =	sbr.rel @p0 .LBB2_2-.Ltmp0, $4  }
0x41: {  	[sflag:s17] =	ssyncset.done $0x0  }
0x42: {  	[sflag:s17] =	ssyncadd.s32 $0xFFFFC000  }
0x43: {  	_ =	swait.ge [sflag:s22], $0x4000  }
0x44: {  	s29 =	smov.u32 s31;
	s26 =	sadd.s32 $0x100, s26;
	[sflag:s22] =	ssyncset.done $0x0  }
0x45: {  	s28 =	sadd.s32 s28, s13;
	[sflag:s22] =	ssyncadd.s32 $0xFFFFC000  }
0x46: {  	[hbm4b:s28+s3] =	stream.linear.scatter [tilespmem:s19], [sflag:$0x1], $0x4000, $0x38;
	[tilespmem:$0x1E800] =	vst v63  }
0x47: {  	s29 =	sadd.s32 $0xFFFFFF80, s26  }
0x48: {  	[tilespmem:s20], [sflag:$0x3] =	stream.indirect.gather [spmem:s2], $0x80, s29, s18, $0xb8;
	[tilespmem:$0x1E800] =	vst v63  }
0x49: {  	_ =	swait.ge [sflag:s17], $0x4000  }
0x4a: {  	[sflag:s17] =	ssyncset.done $0x0  }
0x4b: {  	[sflag:s17] =	ssyncadd.s32 $0xFFFFC000  }
0x4c: {  	_ =	swait.ge [sflag:s21], $0x4000  }
0x4d: {  	[sflag:s21] =	ssyncset.done $0x0  }
0x4e: {  	s28 =	sadd.s32 $0x800, s28;
	[sflag:s21] =	ssyncadd.s32 $0xFFFFC000  }
0x4f: {  	[hbm4b:s28+s3] =	stream.linear.scatter [tilespmem:s20], [sflag:$0x2], $0x4000, $0x38;
	[tilespmem:$0x1E800] =	vst v63  }
0x50: {  	_ = 	snop  }
0x51: {  	[tilespmem:s19], [sflag:$0x3] =	stream.indirect.gather [spmem:s2], $0x80, s26, s18, $0xb8;
	[tilespmem:$0x1E800] =	vst v63  }
0x52: {  	_ =	swait.ge [sflag:s17], $0x4000  }
0x53: {  	[sflag:s17] =	ssyncset.done $0x0  }
0x54: {  	[sflag:s17] =	ssyncadd.s32 $0xFFFFC000  }
0x55: {  	_ =	swait.ge [sflag:s22], $0x4000  }
0x56: {  	[sflag:s22] =	ssyncset.done $0x0  }
0x57: {  	s31 =	simm.s32 $0x0;
	[sflag:s22] =	ssyncadd.s32 $0xFFFFC000  }
0x58: {  	[hbm4b:s11+s31] =	stream.linear.scatter [tilespmem:s19], [sflag:$0x1], $0x4000, $0x38;
	[tilespmem:$0x1E800] =	vst v63  }
0x59: {  	_ = 	snop  }
0x5a: {  	[tilespmem:s20], [sflag:$0x3] =	stream.indirect.gather [spmem:s2], $0x80, s23, s18, $0xb8;
	[tilespmem:$0x1E800] =	vst v63  }
0x5b: {  	_ =	swait.ge [sflag:s17], $0x4000  }
0x5c: {  	[sflag:s17] =	ssyncset.done $0x0  }
0x5d: {  	[sflag:s17] =	ssyncadd.s32 $0xFFFFC000  }
0x5e: {  	_ =	swait.ge [sflag:s21], $0x4000  }
0x5f: {  	[sflag:s21] =	ssyncset.done $0x0  }
0x60: {  	[sflag:s21] =	ssyncadd.s32 $0xFFFFC000  }
0x61: {  	[hbm4b:s12+s31] =	stream.linear.scatter [tilespmem:s20], [sflag:$0x2], $0x4000, $0x38;
	[tilespmem:$0x1E800] =	vst v63  }
0x62: {  	_ =	swait.ge [sflag:s22], $0x4000  }
0x63: {  	[sflag:s22] =	ssyncset.done $0x0  }
0x64: {  	[sflag:s22] =	ssyncadd.s32 $0xFFFFC000  }
0x65: {  	[bflag:$0x0] =	sbarrier.arrive $0xFFFF  }
0x66: {  	[spmem:s16], [sflag:s6] =	dma.local [hbm:s4], $0x2800  }
0x67: {  	_ =	swait.ge [sflag:s17], $0x2800  }
0x68: {  	[sflag:s17] =	ssyncset.done $0x0  }
0x69: {  	[sflag:s17] =	ssyncadd.s32 $0xFFFFD800  }
0x6a: {  	[tilespmem:s31], [sflag:$0x3] =	stream.linear.gather [hbm4b:s8+s31], $0x2800, $0x38;
	[tilespmem:$0x1E800] =	vst v63  }
0x6b: {  	_ =	swait.ge [sflag:s17], $0x2800  }
0x6c: {  	[sflag:s17] =	ssyncset.done $0x0  }
0x6d: {  	[sflag:s17] =	ssyncadd.s32 $0xFFFFD800  }
0x6e: {  	[bflag:$0x0] =	sbarrier.arrive $0xFFFF  }
0x6f: {  	[tilespmem:s19], [sflag:$0x1] =	stream.linear.gather [hbm4b:s9+s31], $0x4000, $0x38;
	[tilespmem:$0x1E800] =	vst v63  }
0x70: {  	_ =	swait.ge [sflag:s21], $0x4000  }
0x71: {  	[sflag:s21] =	ssyncset.done $0x0  }
0x72: {  	s29 =	sadd.s32 $0xFFFFF800, s15;
	[sflag:s21] =	ssyncadd.s32 $0xFFFFC000  }
0x73: {  	[tilespmem:s20], [sflag:$0x2] =	stream.linear.gather [hbm4b:s29+s3], $0x4000, $0x38;
	[tilespmem:$0x1E800] =	vst v63  }
0x74: {  	s30 =	simm.s32 $0x0  }
0x75: {  	[spmem:s2] =	stream.indirect.scatter.add.f32 [tilespmem:s19], [sflag:$0x3], $0x80, s30, s18, $0xb8;
	[tilespmem:$0x1E800] =	vst v63  }
0x76: {  	_ =	swait.ge [sflag:s17], $0x4000  }
0x77: {  	[sflag:s17] =	ssyncset.done $0x0  }
0x78: {  	[sflag:s17] =	ssyncadd.s32 $0xFFFFC000  }
0x79: {  	_ =	swait.ge [sflag:s22], $0x4000  }
0x7a: {  	[sflag:s22] =	ssyncset.done $0x0  }
0x7b: {  	[sflag:s22] =	ssyncadd.s32 $0xFFFFC000  }
0x7c: {  	[tilespmem:s19], [sflag:$0x1] =	stream.linear.gather [hbm4b:s15+s3], $0x4000, $0x38;
	[tilespmem:$0x1E800] =	vst v63  }
0x7d: {  	s31 =	simm.s32 $0x80  }
0x7e: {  	[spmem:s2] =	stream.indirect.scatter.add.f32 [tilespmem:s20], [sflag:$0x3], $0x80, s31, s18, $0xb8;
	[tilespmem:$0x1E800] =	vst v63  }
0x7f: {  	_ =	swait.ge [sflag:s17], $0x4000  }
0x80: {  	s28 =	smov.u32 s15;
	s26 =	simm.s32 $0x400;
	[sflag:s17] =	ssyncset.done $0x0  }
.LBB2_4:
0x81: {  	p0 =	sne.s32 s26, $0x9800;
	[sflag:s17] =	ssyncadd.s32 $0xFFFFC000;
	s28 =	sadd.s32 $0x1000, s28  }
0x82: {  	s29 =	smov.u32 s26;
	s26 =	sadd.s32 $0x400, s26  }
0x83: {  	_ =	swait.ge [sflag:s21], $0x4000  }
0x84: {  	[sflag:s21] =	ssyncset.done $0x0  }
0x85: {  	s30 =	sadd.s32 $0xFFFFF800, s28;
	[sflag:s21] =	ssyncadd.s32 $0xFFFFC000  }
0x86: {  	[tilespmem:s20], [sflag:$0x2] =	stream.linear.gather [hbm4b:s30+s3], $0x4000, $0x38;
	[tilespmem:$0x1E800] =	vst v63  }
0x87: {  	s29 =	sshra.s32 s29, $0x2  }
0x88: {  	[spmem:s2] =	stream.indirect.scatter.add.f32 [tilespmem:s19], [sflag:$0x3], $0x80, s29, s18, $0xb8;
	[tilespmem:$0x1E800] =	vst v63  }
0x89: {  	_ =	swait.ge [sflag:s17], $0x4000  }
0x8a: {  	[sflag:s17] =	ssyncset.done $0x0  }
0x8b: {  	[sflag:s17] =	ssyncadd.s32 $0xFFFFC000  }
0x8c: {  	_ =	swait.ge [sflag:s22], $0x4000  }
0x8d: {  	[sflag:s22] =	ssyncset.done $0x0  }
0x8e: {  	[sflag:s22] =	ssyncadd.s32 $0xFFFFC000  }
0x8f: {  	[tilespmem:s19], [sflag:$0x1] =	stream.linear.gather [hbm4b:s28+s3], $0x4000, $0x38;
	[tilespmem:$0x1E800] =	vst v63  }
.Ltmp1:
0x90: {  	_ = 	snop;
	(pc) =	sbr.rel @p0 .LBB2_4-.Ltmp1, $4  }
0x91: {  	s29 =	sadd.s32 $0x80, s29  }
0x92: {  	[spmem:s2] =	stream.indirect.scatter.add.f32 [tilespmem:s20], [sflag:$0x3], $0x80, s29, s18, $0xb8;
	[tilespmem:$0x1E800] =	vst v63  }
0x93: {  	_ =	swait.ge [sflag:s17], $0x4000  }
0x94: {  	[sflag:s17] =	ssyncset.done $0x0  }
0x95: {  	[sflag:s17] =	ssyncadd.s32 $0xFFFFC000  }
0x96: {  	_ =	swait.ge [sflag:s21], $0x4000  }
0x97: {  	[sflag:s21] =	ssyncset.done $0x0  }
0x98: {  	[sflag:s21] =	ssyncadd.s32 $0xFFFFC000  }
0x99: {  	[tilespmem:s20], [sflag:$0x2] =	stream.linear.gather [hbm4b:s12+s3], $0x4000, $0x38;
	[tilespmem:$0x1E800] =	vst v63  }
0x9a: {  	_ = 	snop  }
0x9b: {  	[spmem:s2] =	stream.indirect.scatter.add.f32 [tilespmem:s19], [sflag:$0x3], $0x80, s24, s18, $0xb8;
	[tilespmem:$0x1E800] =	vst v63  }
0x9c: {  	_ =	swait.ge [sflag:s17], $0x4000  }
0x9d: {  	[sflag:s17] =	ssyncset.done $0x0  }
0x9e: {  	[sflag:s17] =	ssyncadd.s32 $0xFFFFC000  }
0x9f: {  	_ =	swait.ge [sflag:s22], $0x4000  }
0xa0: {  	[sflag:s22] =	ssyncset.done $0x0  }
0xa1: {  	[sflag:s22] =	ssyncadd.s32 $0xFFFFC000  }
0xa2: {  	[spmem:s2] =	stream.indirect.scatter.add.f32 [tilespmem:s20], [sflag:$0x3], $0x80, s23, s18, $0xb8;
	[tilespmem:$0x1E800] =	vst v63  }
0xa3: {  	_ =	swait.ge [sflag:s17], $0x4000  }
0xa4: {  	s25 =	sadd.s32 $0x1, s25;
	[sflag:s17] =	ssyncset.done $0x0  }
0xa5: {  	p0 =	sne.s32 s25, s10;
	[sflag:s17] =	ssyncadd.s32 $0xFFFFC000  }
.Ltmp2:
0xa6: {  	[bflag:$0x0] =	sbarrier.arrive $0xFFFF;
	(pc) =	sbr.rel @p0 .LBB2_1-.Ltmp2, $4  }
0xa7: {  	[hbm:s14], [sflag:s6] =	dma.local [spmem:s16], $0x2800  }
0xa8: {  	_ =	swait.ge [sflag:s17], $0x2800  }
0xa9: {  	[sflag:s17] =	ssyncset.done $0x0  }
0xaa: {  	[sflag:s17] =	ssyncadd.s32 $0xFFFFD800  }
0xab: {  	_ =	sfence.sel $0x180000  }
0xac: {  	[bflag:$0x0] =	sbarrier.arrive $0xFFFF  }
0xad: {  	p0 =	sne.s32 s1, $0x0;
	_ =	strace $0x90000047  }
0xae: {  	s0 =	sadd.s32 @!p0 $0x100000, s0;
	[bflag:$0x2] =	sbarrier.arrive $0xFFFF  }
0xaf: {  	[sflag:s0] =	ssyncadd.tile.s32 @!p0 $0x1;
	_ =	shalt  }
.Lfunc_end2:
_tile_overlayer_lowered:
.L_overlay_start_2:
0xb0: {  	(tag) =	ssettag $0x2  }
0xb1: {  	s0 =	rddreg [dreg:$0x0];
	s2 =	stileid.u32  }
0xb2: {  	s1 =	rddreg [dreg:$0x1];
	p0 =	sne.s32 s2, $0x0  }
0xb3: {  	s3 =	rddreg [dreg:$0x2];
	[bflag:$0x3] =	sbarrier.arrive $0xFFFF;
	s2 =	simm.s32 @!p0 $0x1C03  }
0xb4: {  	[timem:s3], [sflag:s2] =	dma.local @!p0 [hbm:s0], s1  }
0xb5: {  	s0 =	simm.s32 @!p0 $0x3  }
0xb6: {  	_ =	swait.ge @!p0 [sflag:s0], s1  }
0xb7: {  	s1 =	ssub.s32 @!p0 $0x0, s1;
	[sflag:s0] =	ssyncset.done @!p0 $0x0  }
0xb8: {  	[sflag:s0] =	ssyncadd.s32 @!p0 s1  }
0xb9: {  	[bflag:$0x3] =	sbarrier.arrive $0xFFFF  }
0xba: {  	_ =	shalt  }

</sc_bundles>
